<compile_context>
chip_gen: v7x
topology: tpu7x:2x2x1
jax: 0.10.2.dev20260603
libtpu: 0.0.44.dev20260713+nightly
codegen_flags: <defaults>
</compile_context>

<pallas_src>
import jax
import jax.numpy as jnp
from jax import lax
from jax.experimental import pallas as pl
from jax.experimental.pallas import tpu as pltpu
from jax.experimental.pallas import tpu_sc as plsc

N = 10000
E = 320000
C = 128
B = 1024
OUTC = 1

NC, NS = 2, 16
NW = NC * NS
KCH = 128
EP = ((E + NW * KCH - 1) // (NW * KCH)) * (NW * KCH)
EPT = EP // NW
NCHUNK = EPT // KCH
NDEG = 10240
TRASH = 10000
RPT = NDEG // NW
AGG_PT = NDEG // NS
ZROWS = 64
GCH = 64
RB = 1000

_mesh = plsc.VectorSubcoreMesh(core_axis_name="c", subcore_axis_name="s")


def _sc_pre_body(nid_h, bidx_h, st16_h, emb_h, dstp_h, ones_h, zeros_h,
                 embg_h, stg_h, deg_h,
                 idx_v, idx2_v, rows_v, st_v, didx_a, didx_b, one_v, zdeg_v,
                 degsh, sem, ssem):
    cid = lax.axis_index("c")
    sid = lax.axis_index("s")
    wid = cid * NS + sid
    rbase = wid * RPT

    pltpu.sync_copy(ones_h, one_v)
    pltpu.sync_copy(zeros_h, zdeg_v)

    dbase = sid * AGG_PT

    def zs_it(i, carry):
        pltpu.sync_copy(zdeg_v, degsh.at[pl.ds(dbase + i * ZROWS, ZROWS)])
        return carry
    lax.fori_loop(0, AGG_PT // ZROWS, zs_it, 0)

    plsc.subcore_barrier()

    ebase = wid * EPT
    pltpu.sync_copy(dstp_h.at[pl.ds(ebase, KCH)], didx_a)
    pltpu.async_copy(one_v, degsh.at[didx_a], ssem, add=True)

    def dg_pair(p, carry):
        g0 = 2 * p

        @pl.when(g0 + 1 < NCHUNK)
        def _():
            pltpu.sync_copy(dstp_h.at[pl.ds(ebase + (g0 + 1) * KCH, KCH)],
                            didx_b)
            pltpu.async_copy(one_v, degsh.at[didx_b], ssem, add=True)
        pltpu.make_async_copy(ones_h, one_v, ssem).wait()

        @pl.when(g0 + 2 < NCHUNK)
        def _():
            pltpu.sync_copy(dstp_h.at[pl.ds(ebase + (g0 + 2) * KCH, KCH)],
                            didx_a)
            pltpu.async_copy(one_v, degsh.at[didx_a], ssem, add=True)

        @pl.when(g0 + 1 < NCHUNK)
        def _():
            pltpu.make_async_copy(ones_h, one_v, ssem).wait()
        return carry
    lax.fori_loop(0, (NCHUNK + 1) // 2, dg_pair, 0)

    def it(j, carry):
        base = rbase + j * GCH
        pltpu.sync_copy(nid_h.at[pl.ds(base, GCH)], idx_v)
        pltpu.async_copy(emb_h.at[idx_v], rows_v, sem)
        pltpu.sync_copy(bidx_h.at[pl.ds(base, GCH)], idx2_v)
        pltpu.async_copy(st16_h.at[idx2_v], st_v, sem)
        pltpu.make_async_copy(emb_h.at[pl.ds(0, GCH)], rows_v, sem).wait()
        pltpu.sync_copy(rows_v, embg_h.at[pl.ds(base, GCH)])
        pltpu.make_async_copy(st16_h.at[pl.ds(0, GCH)], st_v, sem).wait()
        pltpu.sync_copy(st_v, stg_h.at[pl.ds(base, GCH)])
        return carry
    lax.fori_loop(0, RPT // GCH, it, 0)

    plsc.subcore_barrier()
    pltpu.sync_copy(degsh.at[pl.ds(dbase, AGG_PT)],
                    deg_h.at[cid, pl.ds(dbase, AGG_PT)])


_sc_pre = pl.kernel(
    _sc_pre_body,
    out_type=(jax.ShapeDtypeStruct((NDEG, C), jnp.float32),
              jax.ShapeDtypeStruct((NDEG, C), jnp.float32),
              jax.ShapeDtypeStruct((NC, NDEG, C), jnp.float32)),
    mesh=_mesh,
    scratch_types=[pltpu.VMEM((GCH,), jnp.int32),
                   pltpu.VMEM((GCH,), jnp.int32),
                   pltpu.VMEM((GCH, C), jnp.float32),
                   pltpu.VMEM((GCH, C), jnp.float32),
                   pltpu.VMEM((KCH,), jnp.int32),
                   pltpu.VMEM((KCH,), jnp.int32),
                   pltpu.VMEM((KCH, C), jnp.float32),
                   pltpu.VMEM((ZROWS, C), jnp.float32),
                   pltpu.VMEM_SHARED((NDEG, C), jnp.float32),
                   pltpu.SemaphoreType.DMA,
                   pltpu.SemaphoreType.DMA],
)


def _sc_agg_body(h_h, srcp_h, dstp_h, zeros_h, agg_h,
                 sia_v, sib_v, didx2_v, rows_a, rows_b, aggsh, sem):
    cid = lax.axis_index("c")
    sid = lax.axis_index("s")
    wid = cid * NS + sid
    rbase = sid * AGG_PT

    pltpu.sync_copy(dstp_h.at[wid], didx2_v)

    def za_it(i, carry):
        pltpu.sync_copy(zeros_h, aggsh.at[pl.ds(rbase + i * ZROWS, ZROWS)])
        return carry
    lax.fori_loop(0, AGG_PT // ZROWS, za_it, 0)

    plsc.subcore_barrier()

    ebase = wid * NCHUNK
    pltpu.sync_copy(srcp_h.at[ebase], sia_v)
    pltpu.async_copy(h_h.at[sia_v.at[0]], rows_a, sem)

    def pair(p, carry):
        g0 = 2 * p

        @pl.when(g0 + 1 < NCHUNK)
        def _():
            pltpu.sync_copy(srcp_h.at[ebase + g0 + 1], sib_v)
            pltpu.async_copy(h_h.at[sib_v.at[0]], rows_b, sem)
        pltpu.make_async_copy(h_h.at[pl.ds(0, KCH)], rows_a, sem).wait()
        pltpu.sync_copy(rows_a, aggsh.at[didx2_v.at[g0]], add=True)

        @pl.when(g0 + 2 < NCHUNK)
        def _():
            pltpu.sync_copy(srcp_h.at[ebase + g0 + 2], sia_v)
            pltpu.async_copy(h_h.at[sia_v.at[0]], rows_a, sem)

        @pl.when(g0 + 1 < NCHUNK)
        def _():
            pltpu.make_async_copy(h_h.at[pl.ds(0, KCH)], rows_b, sem).wait()
            pltpu.sync_copy(rows_b, aggsh.at[didx2_v.at[g0 + 1]], add=True)
        return carry
    lax.fori_loop(0, (NCHUNK + 1) // 2, pair, 0)

    plsc.subcore_barrier()
    pltpu.sync_copy(aggsh.at[pl.ds(rbase, AGG_PT)],
                    agg_h.at[cid, pl.ds(rbase, AGG_PT)])


_sc_agg = pl.kernel(
    _sc_agg_body,
    out_type=jax.ShapeDtypeStruct((NC, NDEG, C), jnp.float32),
    mesh=_mesh,
    scratch_types=[pltpu.VMEM((1, KCH), jnp.int32),
                   pltpu.VMEM((1, KCH), jnp.int32),
                   pltpu.VMEM((NCHUNK, KCH), jnp.int32),
                   pltpu.VMEM((KCH, C), jnp.float32),
                   pltpu.VMEM((KCH, C), jnp.float32),
                   pltpu.VMEM_SHARED((NDEG, C), jnp.float32),
                   pltpu.SemaphoreType.DMA],
)


def _tc_pre_body(x_ref, nt_ref, stg_ref, emb_ref, fr_ref, wt_ref, h0_ref):
    rel = stg_ref[...][:, 0:1] - nt_ref[...]
    pe = jnp.sin(rel * fr_ref[...])
    h0_ref[...] = (x_ref[...] + emb_ref[...]
                   + jnp.dot(pe, wt_ref[...], preferred_element_type=jnp.float32))


_tc_pre = pl.pallas_call(
    _tc_pre_body,
    out_shape=jax.ShapeDtypeStruct((N, C), jnp.float32),
    grid=(N // RB,),
    in_specs=[pl.BlockSpec((RB, C), lambda i: (i, 0)),
              pl.BlockSpec((RB, 1), lambda i: (i, 0)),
              pl.BlockSpec((RB, C), lambda i: (i, 0)),
              pl.BlockSpec((RB, C), lambda i: (i, 0)),
              pl.BlockSpec((1, C), lambda i: (0, 0)),
              pl.BlockSpec((C, C), lambda i: (0, 0))],
    out_specs=pl.BlockSpec((RB, C), lambda i: (i, 0)),
)


def _tc_layer_body(h_ref, aga_ref, agb_ref, dga_ref, dgb_ref,
                   ws_ref, wn_ref, b_ref, o_ref):
    deg = dga_ref[...][:, 0:1] + dgb_ref[...][:, 0:1]
    agg = (aga_ref[...] + agb_ref[...]) * (1.0 / jnp.maximum(deg, 1.0))
    o = (jnp.dot(h_ref[...], ws_ref[...], preferred_element_type=jnp.float32)
         + jnp.dot(agg, wn_ref[...], preferred_element_type=jnp.float32)
         + b_ref[...])
    o_ref[...] = jnp.maximum(o, 0.0)


_tc_layer = pl.pallas_call(
    _tc_layer_body,
    out_shape=jax.ShapeDtypeStruct((N, C), jnp.float32),
    grid=(N // RB,),
    in_specs=[pl.BlockSpec((RB, C), lambda i: (i, 0)),
              pl.BlockSpec((RB, C), lambda i: (i, 0)),
              pl.BlockSpec((RB, C), lambda i: (i, 0)),
              pl.BlockSpec((RB, C), lambda i: (i, 0)),
              pl.BlockSpec((RB, C), lambda i: (i, 0)),
              pl.BlockSpec((C, C), lambda i: (0, 0)),
              pl.BlockSpec((C, C), lambda i: (0, 0)),
              pl.BlockSpec((1, C), lambda i: (0, 0))],
    out_specs=pl.BlockSpec((RB, C), lambda i: (i, 0)),
)


def _tc_head_body(h_ref, aga_ref, agb_ref, dga_ref, dgb_ref,
                  ws_ref, wn_ref, b_ref, wh_ref, bh_ref, o_ref):
    deg = dga_ref[...][:, 0:1] + dgb_ref[...][:, 0:1]
    agg = (aga_ref[...] + agb_ref[...]) * (1.0 / jnp.maximum(deg, 1.0))
    h2 = (jnp.dot(h_ref[...], ws_ref[...], preferred_element_type=jnp.float32)
          + jnp.dot(agg, wn_ref[...], preferred_element_type=jnp.float32)
          + b_ref[...])
    o_ref[...] = (jnp.dot(h2, wh_ref[...], preferred_element_type=jnp.float32)
                  + bh_ref[...])


_tc_head = pl.pallas_call(
    _tc_head_body,
    out_shape=jax.ShapeDtypeStruct((B, C), jnp.float32),
    grid=(1,),
    in_specs=[pl.BlockSpec((B, C), lambda i: (0, 0)),
              pl.BlockSpec((B, C), lambda i: (0, 0)),
              pl.BlockSpec((B, C), lambda i: (0, 0)),
              pl.BlockSpec((B, C), lambda i: (0, 0)),
              pl.BlockSpec((B, C), lambda i: (0, 0)),
              pl.BlockSpec((C, C), lambda i: (0, 0)),
              pl.BlockSpec((C, C), lambda i: (0, 0)),
              pl.BlockSpec((1, C), lambda i: (0, 0)),
              pl.BlockSpec((C, C), lambda i: (0, 0)),
              pl.BlockSpec((1, C), lambda i: (0, 0))],
    out_specs=pl.BlockSpec((B, C), lambda i: (0, 0)),
)


def kernel(x, node_time, seed_time, batch_idx, n_id, edge_index,
           emb_table, W_t, W_self, W_neigh, b, W_head, b_head):
    src = edge_index[0]
    dst = edge_index[1]
    srcp = jnp.concatenate([src, jnp.zeros((EP - E,), jnp.int32)])
    dstp = jnp.concatenate([dst, jnp.full((EP - E,), TRASH, jnp.int32)])
    src3 = srcp.reshape(NW * NCHUNK, 1, KCH)
    dst3 = dstp.reshape(NW, NCHUNK, KCH)
    nidp = jnp.concatenate([n_id, jnp.zeros((NDEG - N,), jnp.int32)])
    bidxp = jnp.concatenate([batch_idx, jnp.zeros((NDEG - N,), jnp.int32)])
    st16 = jnp.broadcast_to(seed_time[:, None], (B, C))
    freqs = jnp.exp(jnp.linspace(0.0, 4.0, C)).astype(jnp.float32).reshape(1, C)
    ones_c = jnp.ones((KCH, C), jnp.float32)
    zeros_c = jnp.zeros((ZROWS, C), jnp.float32)

    embg, stg, deg = _sc_pre(nidp, bidxp, st16, emb_table, dstp, ones_c, zeros_c)
    h0 = _tc_pre(x, node_time.reshape(N, 1), stg[:N], embg[:N], freqs, W_t)
    agg1 = _sc_agg(h0, src3, dst3, zeros_c)
    h1 = _tc_layer(h0, agg1[0, :N], agg1[1, :N], deg[0, :N], deg[1, :N],
                   W_self[0], W_neigh[0], b[0].reshape(1, C))
    agg2 = _sc_agg(h1, src3, dst3, zeros_c)
    wh_pad = jnp.pad(W_head, ((0, 0), (0, C - OUTC)))
    bh_pad = jnp.pad(b_head, (0, C - OUTC)).reshape(1, C)
    out = _tc_head(h1[:B], agg2[0, :B], agg2[1, :B], deg[0, :B], deg[1, :B],
                   W_self[1], W_neigh[1], b[1].reshape(1, C), wh_pad, bh_pad)
    return out[:, :OUTC]

# --- scband reference (transcript-rebuilt; emitter-appended) ---
"""Pipeline reference for scband-model-35631048688048 (READ-ONLY COPY).

The authoritative reference and input builder live on the scoring server;
editing this copy changes nothing except your own understanding.
"""

import jax, jax.numpy as jnp
import numpy as np

N = 10000   # nodes
E = 320000  # edges
C = 128     # channels
B = 1024    # seed nodes (batch)
L = 2       # gnn layers
OUT = 1     # out_channels


def setup_inputs(seed: int = 0) -> dict:
    key = jax.random.key(seed)
    ks = jax.random.split(key, 14)
    x = jax.random.normal(ks[0], (N, C), dtype=jnp.float32)
    node_time = jax.random.uniform(ks[1], (N,), dtype=jnp.float32)
    seed_time = jax.random.uniform(ks[2], (B,), dtype=jnp.float32)
    batch_idx = jax.random.randint(ks[3], (N,), 0, B)
    n_id = jax.random.randint(ks[4], (N,), 0, N)
    edge_index = jax.random.randint(ks[5], (2, E), 0, N)
    # learned parameters
    emb_table = jax.random.normal(ks[6], (N, C), dtype=jnp.float32) * 0.1
    W_t = jax.random.normal(ks[7], (C, C), dtype=jnp.float32) / np.sqrt(C)
    W_self = jax.random.normal(ks[8], (L, C, C), dtype=jnp.float32) / np.sqrt(C)
    W_neigh = jax.random.normal(ks[9], (L, C, C), dtype=jnp.float32) / np.sqrt(C)
    b = jnp.zeros((L, C), dtype=jnp.float32)
    W_head = jax.random.normal(ks[10], (C, OUT), dtype=jnp.float32) / np.sqrt(C)
    b_head = jnp.zeros((OUT,), dtype=jnp.float32)
    return {
        'x': x, 'node_time': node_time, 'seed_time': seed_time,
        'batch_idx': batch_idx, 'n_id': n_id, 'edge_index': edge_index,
        'emb_table': emb_table, 'W_t': W_t, 'W_self': W_self,
        'W_neigh': W_neigh, 'b': b, 'W_head': W_head, 'b_head': b_head,
    }


def reference(x, node_time, seed_time, batch_idx, n_id, edge_index,
              emb_table, W_t, W_self, W_neigh, b, W_head, b_head):
    # HeteroTemporalEncoder: rel_time = seed_time[batch] - node_time, sinusoidal enc + linear
    freqs = jnp.exp(jnp.linspace(0.0, 4.0, C)).astype(jnp.float32)
    rel_time = seed_time[batch_idx] - node_time            # gather [N]
    pe = jnp.sin(rel_time[:, None] * freqs[None, :])       # [N, C]
    h = x + pe @ W_t
    # shallow embedding lookup: x += embedding(n_id)
    h = h + jnp.take(emb_table, n_id, axis=0)              # gather [N, C]
    # HeteroGraphSAGE: mean-aggr SAGEConv layers
    src = edge_index[0]
    dst = edge_index[1]
    for l in range(L):
        msgs = jnp.take(h, src, axis=0)                    # gather [E, C]
        agg = jax.ops.segment_sum(msgs, dst, num_segments=N)
        deg = jax.ops.segment_sum(jnp.ones((E,), jnp.float32), dst, num_segments=N)
        agg = agg / jnp.maximum(deg, 1.0)[:, None]         # mean aggregation
        h = h @ W_self[l] + agg @ W_neigh[l] + b[l]
        if l < L - 1:
            h = jax.nn.relu(h)
    # MLP head over the seed nodes (first B rows)
    out = h[:B] @ W_head + b_head                          # [B, OUT]
    return out

if __name__ == "__main__":
    import jax
    _d = setup_inputs()
    print(jax.jit(kernel)(*tuple(_d.values())))

</pallas_src>

<mosaic_0001>
#map = affine_map<(d0, d1) -> (0, 0)>
#map1 = affine_map<(d0, d1) -> (0, 0, 0)>
module attributes {stable_mosaic.version = 14 : i64} {
  func.func @_sc_agg_body(%arg0: i32, %arg1: i32, %arg2: memref<10000x128xf32, #tpu.memory_space<hbm>>, %arg3: memref<2528x1x128xi32, #tpu.memory_space<hbm>>, %arg4: memref<32x79x128xi32, #tpu.memory_space<hbm>>, %arg5: memref<64x128xf32, #tpu.memory_space<hbm>>, %arg6: memref<2x10240x128xf32, #tpu.memory_space<hbm>>, %arg7: memref<1x128xi32, #tpu.memory_space<vmem>>, %arg8: memref<1x128xi32, #tpu.memory_space<vmem>>, %arg9: memref<79x128xi32, #tpu.memory_space<vmem>>, %arg10: memref<128x128xf32, #tpu.memory_space<vmem>>, %arg11: memref<128x128xf32, #tpu.memory_space<vmem>>, %arg12: memref<10240x128xf32, #tpu.memory_space<vmem_shared>>, %arg13: memref<!tpu.dma_semaphore, #tpu.memory_space<semaphore_mem>>) attributes {dimension_semantics = [#tpu.dimension_semantics<core_parallel>, #tpu.dimension_semantics<subcore_parallel>], iteration_bounds = array<i64: 2, 16>, scalar_prefetch = 0 : i64, scratch_operands = 7 : i64, tpu.core_type = #tpu.core_type<sc_vector_subcore>, window_params = [{transform_indices = #map}, {transform_indices = #map1}, {transform_indices = #map1}, {transform_indices = #map}, {transform_indices = #map1}]} {
    %mul3A = arith.constant 16 : i32
    %mul3A_0 = arith.muli %arg0, %mul3A : i32
    %add3A = arith.addi %mul3A_0, %arg1 : i32
    %mul3A_1 = arith.constant 640 : i32
    %mul3A_2 = arith.muli %arg1, %mul3A_1 : i32
    "tpu.region"() ({
      %run_scoped3A = tpu.sem_alloc : memref<!tpu.dma_semaphore, #tpu.memory_space<semaphore_mem>>
      %dma_start3A_23 = arith.constant 0 : i32
      %dma_start3A_24 = arith.constant 0 : i32
      %dma_start3A_25 = tpu.memref_slice %arg4[%add3A, %dma_start3A_23, %dma_start3A_24] : memref<32x79x128xi32, #tpu.memory_space<hbm>> -> memref<1x79x128xi32, #tpu.memory_space<hbm>>
      %dma_start3A_26 = tpu.memref_squeeze %dma_start3A_25 : memref<1x79x128xi32, #tpu.memory_space<hbm>> -> memref<79x128xi32, #tpu.memory_space<hbm>>
      %dma_start3A_27 = arith.constant 0 : i32
      %dma_start3A_28 = arith.constant 0 : i32
      %dma_start3A_29 = tpu.memref_slice %arg4[%add3A, %dma_start3A_27, %dma_start3A_28] : memref<32x79x128xi32, #tpu.memory_space<hbm>> -> memref<1x79x128xi32, #tpu.memory_space<hbm>>
      %dma_start3A_30 = tpu.memref_squeeze %dma_start3A_29 : memref<1x79x128xi32, #tpu.memory_space<hbm>> -> memref<79x128xi32, #tpu.memory_space<hbm>>
      tpu.enqueue_dma source(%dma_start3A_30 : memref<79x128xi32, #tpu.memory_space<hbm>>) target(%arg9 : memref<79x128xi32, #tpu.memory_space<vmem>>) target_semaphore(%run_scoped3A : memref<!tpu.dma_semaphore, #tpu.memory_space<semaphore_mem>>)
      %dma_wait3A = arith.constant 0 : i32
      %dma_wait3A_31 = arith.constant 0 : i32
      %dma_wait3A_32 = tpu.memref_slice %arg4[%add3A, %dma_wait3A, %dma_wait3A_31] : memref<32x79x128xi32, #tpu.memory_space<hbm>> -> memref<1x79x128xi32, #tpu.memory_space<hbm>>
      %dma_wait3A_33 = tpu.memref_squeeze %dma_wait3A_32 : memref<1x79x128xi32, #tpu.memory_space<hbm>> -> memref<79x128xi32, #tpu.memory_space<hbm>>
      %dma_wait3A_34 = arith.constant 0 : i32
      %dma_wait3A_35 = arith.constant 0 : i32
      %dma_wait3A_36 = tpu.memref_slice %arg4[%add3A, %dma_wait3A_34, %dma_wait3A_35] : memref<32x79x128xi32, #tpu.memory_space<hbm>> -> memref<1x79x128xi32, #tpu.memory_space<hbm>>
      %dma_wait3A_37 = tpu.memref_squeeze %dma_wait3A_36 : memref<1x79x128xi32, #tpu.memory_space<hbm>> -> memref<79x128xi32, #tpu.memory_space<hbm>>
      tpu.wait_dma2 semaphore(%run_scoped3A : memref<!tpu.dma_semaphore, #tpu.memory_space<semaphore_mem>>) src(%dma_wait3A_37 : memref<79x128xi32, #tpu.memory_space<hbm>>) dst(%arg9 : memref<79x128xi32, #tpu.memory_space<vmem>>)
      tpu.yield
    }) : () -> ()
    %scan3A = arith.constant 0 : i32
    %scan3A_3 = arith.constant 0 : i32
    %scan3A_4 = arith.constant 10 : i32
    %scan3A_5 = arith.addi %scan3A_3, %scan3A_4 : i32
    %scan3A_6 = arith.constant 1 : i32
    scf.for %scan3A_23 = %scan3A_3 to %scan3A_5 step %scan3A_6  : i32 {
      %mul3A_24 = arith.constant 64 : i32
      %mul3A_25 = arith.muli %scan3A_23, %mul3A_24 : i32
      %add3A_26 = arith.addi %mul3A_2, %mul3A_25 : i32
      "tpu.region"() ({
        %run_scoped3A = tpu.sem_alloc : memref<!tpu.dma_semaphore, #tpu.memory_space<semaphore_mem>>
        %dma_start3A_27 = arith.constant 0 : i32
        %dma_start3A_28 = tpu.memref_slice %arg12[%add3A_26, %dma_start3A_27] : memref<10240x128xf32, #tpu.memory_space<vmem_shared>> -> memref<64x128xf32, #tpu.memory_space<vmem_shared>>
        tpu.enqueue_dma source(%arg5 : memref<64x128xf32, #tpu.memory_space<hbm>>) target(%dma_start3A_28 : memref<64x128xf32, #tpu.memory_space<vmem_shared>>) target_semaphore(%run_scoped3A : memref<!tpu.dma_semaphore, #tpu.memory_space<semaphore_mem>>)
        %dma_wait3A = arith.constant 0 : i32
        %dma_wait3A_29 = tpu.memref_slice %arg12[%add3A_26, %dma_wait3A] : memref<10240x128xf32, #tpu.memory_space<vmem_shared>> -> memref<64x128xf32, #tpu.memory_space<vmem_shared>>
        tpu.wait_dma2 semaphore(%run_scoped3A : memref<!tpu.dma_semaphore, #tpu.memory_space<semaphore_mem>>) src(%arg5 : memref<64x128xf32, #tpu.memory_space<hbm>>) dst(%dma_wait3A_29 : memref<64x128xf32, #tpu.memory_space<vmem_shared>>)
        tpu.yield
      }) : () -> ()
    }
    %scan3A_7 = arith.constant 10 : i32
    %barrier3A = arith.constant 0 : index
    tpu.barrier barrier_id(%barrier3A)
    %mul3A_8 = arith.constant 79 : i32
    %mul3A_9 = arith.muli %add3A, %mul3A_8 : i32
    "tpu.region"() ({
      %run_scoped3A = tpu.sem_alloc : memref<!tpu.dma_semaphore, #tpu.memory_space<semaphore_mem>>
      %dma_start3A_23 = arith.constant 0 : i32
      %dma_start3A_24 = arith.constant 0 : i32
      %dma_start3A_25 = tpu.memref_slice %arg3[%mul3A_9, %dma_start3A_23, %dma_start3A_24] : memref<2528x1x128xi32, #tpu.memory_space<hbm>> -> memref<1x1x128xi32, #tpu.memory_space<hbm>>
      %dma_start3A_26 = tpu.memref_squeeze %dma_start3A_25 : memref<1x1x128xi32, #tpu.memory_space<hbm>> -> memref<1x128xi32, #tpu.memory_space<hbm>>
      %dma_start3A_27 = arith.constant 0 : i32
      %dma_start3A_28 = arith.constant 0 : i32
      %dma_start3A_29 = tpu.memref_slice %arg3[%mul3A_9, %dma_start3A_27, %dma_start3A_28] : memref<2528x1x128xi32, #tpu.memory_space<hbm>> -> memref<1x1x128xi32, #tpu.memory_space<hbm>>
      %dma_start3A_30 = tpu.memref_squeeze %dma_start3A_29 : memref<1x1x128xi32, #tpu.memory_space<hbm>> -> memref<1x128xi32, #tpu.memory_space<hbm>>
      tpu.enqueue_dma source(%dma_start3A_30 : memref<1x128xi32, #tpu.memory_space<hbm>>) target(%arg7 : memref<1x128xi32, #tpu.memory_space<vmem>>) target_semaphore(%run_scoped3A : memref<!tpu.dma_semaphore, #tpu.memory_space<semaphore_mem>>)
      %dma_wait3A = arith.constant 0 : i32
      %dma_wait3A_31 = arith.constant 0 : i32
      %dma_wait3A_32 = tpu.memref_slice %arg3[%mul3A_9, %dma_wait3A, %dma_wait3A_31] : memref<2528x1x128xi32, #tpu.memory_space<hbm>> -> memref<1x1x128xi32, #tpu.memory_space<hbm>>
      %dma_wait3A_33 = tpu.memref_squeeze %dma_wait3A_32 : memref<1x1x128xi32, #tpu.memory_space<hbm>> -> memref<1x128xi32, #tpu.memory_space<hbm>>
      %dma_wait3A_34 = arith.constant 0 : i32
      %dma_wait3A_35 = arith.constant 0 : i32
      %dma_wait3A_36 = tpu.memref_slice %arg3[%mul3A_9, %dma_wait3A_34, %dma_wait3A_35] : memref<2528x1x128xi32, #tpu.memory_space<hbm>> -> memref<1x1x128xi32, #tpu.memory_space<hbm>>
      %dma_wait3A_37 = tpu.memref_squeeze %dma_wait3A_36 : memref<1x1x128xi32, #tpu.memory_space<hbm>> -> memref<1x128xi32, #tpu.memory_space<hbm>>
      tpu.wait_dma2 semaphore(%run_scoped3A : memref<!tpu.dma_semaphore, #tpu.memory_space<semaphore_mem>>) src(%dma_wait3A_37 : memref<1x128xi32, #tpu.memory_space<hbm>>) dst(%arg7 : memref<1x128xi32, #tpu.memory_space<vmem>>)
      tpu.yield
    }) : () -> ()
    %dma_start3A = arith.constant 0 : i32
    %dma_start3A_10 = arith.constant 0 : i32
    %dma_start3A_11 = tpu.memref_slice %arg7[%dma_start3A, %dma_start3A_10] : memref<1x128xi32, #tpu.memory_space<vmem>> -> memref<1x128xi32, #tpu.memory_space<vmem>>
    %dma_start3A_12 = tpu.memref_squeeze %dma_start3A_11 : memref<1x128xi32, #tpu.memory_space<vmem>> -> memref<128xi32, #tpu.memory_space<vmem>>
    %dma_start3A_13 = arith.constant 0 : i32
    %dma_start3A_14 = arith.constant 0 : i32
    %dma_start3A_15 = tpu.memref_slice %arg2[%dma_start3A_13, %dma_start3A_14] : memref<10000x128xf32, #tpu.memory_space<hbm>> -> memref<10000x128xf32, #tpu.memory_space<hbm>>
    tpu.enqueue_indirect_dma source(%dma_start3A_15 : memref<10000x128xf32, #tpu.memory_space<hbm>>) target(%arg10 : memref<128x128xf32, #tpu.memory_space<vmem>>) offsets(%dma_start3A_12 : memref<128xi32, #tpu.memory_space<vmem>>) semaphore(%arg13 : memref<!tpu.dma_semaphore, #tpu.memory_space<semaphore_mem>>)
    %scan3A_16 = arith.constant 0 : i32
    %scan3A_17 = arith.constant 0 : i32
    %scan3A_18 = arith.constant 40 : i32
    %scan3A_19 = arith.addi %scan3A_17, %scan3A_18 : i32
    %scan3A_20 = arith.constant 1 : i32
    scf.for %scan3A_23 = %scan3A_17 to %scan3A_19 step %scan3A_20  : i32 {
      %mul3A_24 = arith.constant 2 : i32
      %mul3A_25 = arith.muli %mul3A_24, %scan3A_23 : i32
      %add3A_26 = arith.constant 1 : i32
      %add3A_27 = arith.addi %mul3A_25, %add3A_26 : i32
      %lt3A = arith.constant 79 : i32
      %lt3A_28 = arith.cmpi slt, %add3A_27, %lt3A : i32
      %convert_element_type3A = arith.extui %lt3A_28 : i1 to i32
      %cond3A = arith.constant 0 : i32
      %cond3A_29 = arith.cmpi ne, %convert_element_type3A, %cond3A : i32
      scf.if %cond3A_29 {
        %add3A_49 = arith.addi %mul3A_9, %mul3A_25 : i32
        %add3A_50 = arith.constant 1 : i32
        %add3A_51 = arith.addi %add3A_49, %add3A_50 : i32
        "tpu.region"() ({
          %run_scoped3A = tpu.sem_alloc : memref<!tpu.dma_semaphore, #tpu.memory_space<semaphore_mem>>
          %dma_start3A_59 = arith.constant 0 : i32
          %dma_start3A_60 = arith.constant 0 : i32
          %dma_start3A_61 = tpu.memref_slice %arg3[%add3A_51, %dma_start3A_59, %dma_start3A_60] : memref<2528x1x128xi32, #tpu.memory_space<hbm>> -> memref<1x1x128xi32, #tpu.memory_space<hbm>>
          %dma_start3A_62 = tpu.memref_squeeze %dma_start3A_61 : memref<1x1x128xi32, #tpu.memory_space<hbm>> -> memref<1x128xi32, #tpu.memory_space<hbm>>
          %dma_start3A_63 = arith.constant 0 : i32
          %dma_start3A_64 = arith.constant 0 : i32
          %dma_start3A_65 = tpu.memref_slice %arg3[%add3A_51, %dma_start3A_63, %dma_start3A_64] : memref<2528x1x128xi32, #tpu.memory_space<hbm>> -> memref<1x1x128xi32, #tpu.memory_space<hbm>>
          %dma_start3A_66 = tpu.memref_squeeze %dma_start3A_65 : memref<1x1x128xi32, #tpu.memory_space<hbm>> -> memref<1x128xi32, #tpu.memory_space<hbm>>
          tpu.enqueue_dma source(%dma_start3A_66 : memref<1x128xi32, #tpu.memory_space<hbm>>) target(%arg8 : memref<1x128xi32, #tpu.memory_space<vmem>>) target_semaphore(%run_scoped3A : memref<!tpu.dma_semaphore, #tpu.memory_space<semaphore_mem>>)
          %dma_wait3A_67 = arith.constant 0 : i32
          %dma_wait3A_68 = arith.constant 0 : i32
          %dma_wait3A_69 = tpu.memref_slice %arg3[%add3A_51, %dma_wait3A_67, %dma_wait3A_68] : memref<2528x1x128xi32, #tpu.memory_space<hbm>> -> memref<1x1x128xi32, #tpu.memory_space<hbm>>
          %dma_wait3A_70 = tpu.memref_squeeze %dma_wait3A_69 : memref<1x1x128xi32, #tpu.memory_space<hbm>> -> memref<1x128xi32, #tpu.memory_space<hbm>>
          %dma_wait3A_71 = arith.constant 0 : i32
          %dma_wait3A_72 = arith.constant 0 : i32
          %dma_wait3A_73 = tpu.memref_slice %arg3[%add3A_51, %dma_wait3A_71, %dma_wait3A_72] : memref<2528x1x128xi32, #tpu.memory_space<hbm>> -> memref<1x1x128xi32, #tpu.memory_space<hbm>>
          %dma_wait3A_74 = tpu.memref_squeeze %dma_wait3A_73 : memref<1x1x128xi32, #tpu.memory_space<hbm>> -> memref<1x128xi32, #tpu.memory_space<hbm>>
          tpu.wait_dma2 semaphore(%run_scoped3A : memref<!tpu.dma_semaphore, #tpu.memory_space<semaphore_mem>>) src(%dma_wait3A_74 : memref<1x128xi32, #tpu.memory_space<hbm>>) dst(%arg8 : memref<1x128xi32, #tpu.memory_space<vmem>>)
          tpu.yield
        }) : () -> ()
        %dma_start3A_52 = arith.constant 0 : i32
        %dma_start3A_53 = arith.constant 0 : i32
        %dma_start3A_54 = tpu.memref_slice %arg8[%dma_start3A_52, %dma_start3A_53] : memref<1x128xi32, #tpu.memory_space<vmem>> -> memref<1x128xi32, #tpu.memory_space<vmem>>
        %dma_start3A_55 = tpu.memref_squeeze %dma_start3A_54 : memref<1x128xi32, #tpu.memory_space<vmem>> -> memref<128xi32, #tpu.memory_space<vmem>>
        %dma_start3A_56 = arith.constant 0 : i32
        %dma_start3A_57 = arith.constant 0 : i32
        %dma_start3A_58 = tpu.memref_slice %arg2[%dma_start3A_56, %dma_start3A_57] : memref<10000x128xf32, #tpu.memory_space<hbm>> -> memref<10000x128xf32, #tpu.memory_space<hbm>>
        tpu.enqueue_indirect_dma source(%dma_start3A_58 : memref<10000x128xf32, #tpu.memory_space<hbm>>) target(%arg11 : memref<128x128xf32, #tpu.memory_space<vmem>>) offsets(%dma_start3A_55 : memref<128xi32, #tpu.memory_space<vmem>>) semaphore(%arg13 : memref<!tpu.dma_semaphore, #tpu.memory_space<semaphore_mem>>)
      } else {
      }
      %dma_wait3A = arith.constant 0 : i32
      %dma_wait3A_30 = arith.constant 0 : i32
      %dma_wait3A_31 = tpu.memref_slice %arg2[%dma_wait3A, %dma_wait3A_30] : memref<10000x128xf32, #tpu.memory_space<hbm>> -> memref<128x128xf32, #tpu.memory_space<hbm>>
      %dma_wait3A_32 = arith.constant 0 : i32
      %dma_wait3A_33 = arith.constant 0 : i32
      %dma_wait3A_34 = tpu.memref_slice %arg2[%dma_wait3A_32, %dma_wait3A_33] : memref<10000x128xf32, #tpu.memory_space<hbm>> -> memref<128x128xf32, #tpu.memory_space<hbm>>
      tpu.wait_dma2 semaphore(%arg13 : memref<!tpu.dma_semaphore, #tpu.memory_space<semaphore_mem>>) src(%dma_wait3A_34 : memref<128x128xf32, #tpu.memory_space<hbm>>) dst(%arg10 : memref<128x128xf32, #tpu.memory_space<vmem>>)
      "tpu.region"() ({
        %run_scoped3A = tpu.sem_alloc : memref<!tpu.dma_semaphore, #tpu.memory_space<semaphore_mem>>
        %dma_start3A_49 = arith.constant 0 : i32
        %dma_start3A_50 = tpu.memref_slice %arg9[%mul3A_25, %dma_start3A_49] : memref<79x128xi32, #tpu.memory_space<vmem>> -> memref<1x128xi32, #tpu.memory_space<vmem>>
        %dma_start3A_51 = tpu.memref_squeeze %dma_start3A_50 : memref<1x128xi32, #tpu.memory_space<vmem>> -> memref<128xi32, #tpu.memory_space<vmem>>
        %dma_start3A_52 = arith.constant 0 : i32
        %dma_start3A_53 = arith.constant 0 : i32
        %dma_start3A_54 = tpu.memref_slice %arg12[%dma_start3A_52, %dma_start3A_53] : memref<10240x128xf32, #tpu.memory_space<vmem_shared>> -> memref<10240x128xf32, #tpu.memory_space<vmem_shared>>
        tpu.enqueue_indirect_dma source(%arg10 : memref<128x128xf32, #tpu.memory_space<vmem>>) target(%dma_start3A_54 : memref<10240x128xf32, #tpu.memory_space<vmem_shared>>) offsets(%dma_start3A_51 : memref<128xi32, #tpu.memory_space<vmem>>) semaphore(%run_scoped3A : memref<!tpu.dma_semaphore, #tpu.memory_space<semaphore_mem>>) {add = true}
        %dma_wait3A_55 = arith.constant 0 : i32
        %dma_wait3A_56 = tpu.memref_slice %arg9[%mul3A_25, %dma_wait3A_55] : memref<79x128xi32, #tpu.memory_space<vmem>> -> memref<1x128xi32, #tpu.memory_space<vmem>>
        %dma_wait3A_57 = tpu.memref_squeeze %dma_wait3A_56 : memref<1x128xi32, #tpu.memory_space<vmem>> -> memref<128xi32, #tpu.memory_space<vmem>>
        %dma_wait3A_58 = arith.constant 0 : i32
        %dma_wait3A_59 = arith.constant 0 : i32
        %dma_wait3A_60 = tpu.memref_slice %arg12[%dma_wait3A_58, %dma_wait3A_59] : memref<10240x128xf32, #tpu.memory_space<vmem_shared>> -> memref<10240x128xf32, #tpu.memory_space<vmem_shared>>
        tpu.wait_indirect_dma semaphore(%run_scoped3A : memref<!tpu.dma_semaphore, #tpu.memory_space<semaphore_mem>>) src(%arg10 : memref<128x128xf32, #tpu.memory_space<vmem>>) dst(%dma_wait3A_60 : memref<10240x128xf32, #tpu.memory_space<vmem_shared>>)
        tpu.yield
      }) : () -> ()
      %add3A_35 = arith.constant 2 : i32
      %add3A_36 = arith.addi %mul3A_25, %add3A_35 : i32
      %lt3A_37 = arith.constant 79 : i32
      %lt3A_38 = arith.cmpi slt, %add3A_36, %lt3A_37 : i32
      %convert_element_type3A_39 = arith.extui %lt3A_38 : i1 to i32
      %cond3A_40 = arith.constant 0 : i32
      %cond3A_41 = arith.cmpi ne, %convert_element_type3A_39, %cond3A_40 : i32
      scf.if %cond3A_41 {
        %add3A_49 = arith.addi %mul3A_9, %mul3A_25 : i32
        %add3A_50 = arith.constant 2 : i32
        %add3A_51 = arith.addi %add3A_49, %add3A_50 : i32
        "tpu.region"() ({
          %run_scoped3A = tpu.sem_alloc : memref<!tpu.dma_semaphore, #tpu.memory_space<semaphore_mem>>
          %dma_start3A_59 = arith.constant 0 : i32
          %dma_start3A_60 = arith.constant 0 : i32
          %dma_start3A_61 = tpu.memref_slice %arg3[%add3A_51, %dma_start3A_59, %dma_start3A_60] : memref<2528x1x128xi32, #tpu.memory_space<hbm>> -> memref<1x1x128xi32, #tpu.memory_space<hbm>>
          %dma_start3A_62 = tpu.memref_squeeze %dma_start3A_61 : memref<1x1x128xi32, #tpu.memory_space<hbm>> -> memref<1x128xi32, #tpu.memory_space<hbm>>
          %dma_start3A_63 = arith.constant 0 : i32
          %dma_start3A_64 = arith.constant 0 : i32
          %dma_start3A_65 = tpu.memref_slice %arg3[%add3A_51, %dma_start3A_63, %dma_start3A_64] : memref<2528x1x128xi32, #tpu.memory_space<hbm>> -> memref<1x1x128xi32, #tpu.memory_space<hbm>>
          %dma_start3A_66 = tpu.memref_squeeze %dma_start3A_65 : memref<1x1x128xi32, #tpu.memory_space<hbm>> -> memref<1x128xi32, #tpu.memory_space<hbm>>
          tpu.enqueue_dma source(%dma_start3A_66 : memref<1x128xi32, #tpu.memory_space<hbm>>) target(%arg7 : memref<1x128xi32, #tpu.memory_space<vmem>>) target_semaphore(%run_scoped3A : memref<!tpu.dma_semaphore, #tpu.memory_space<semaphore_mem>>)
          %dma_wait3A_67 = arith.constant 0 : i32
          %dma_wait3A_68 = arith.constant 0 : i32
          %dma_wait3A_69 = tpu.memref_slice %arg3[%add3A_51, %dma_wait3A_67, %dma_wait3A_68] : memref<2528x1x128xi32, #tpu.memory_space<hbm>> -> memref<1x1x128xi32, #tpu.memory_space<hbm>>
          %dma_wait3A_70 = tpu.memref_squeeze %dma_wait3A_69 : memref<1x1x128xi32, #tpu.memory_space<hbm>> -> memref<1x128xi32, #tpu.memory_space<hbm>>
          %dma_wait3A_71 = arith.constant 0 : i32
          %dma_wait3A_72 = arith.constant 0 : i32
          %dma_wait3A_73 = tpu.memref_slice %arg3[%add3A_51, %dma_wait3A_71, %dma_wait3A_72] : memref<2528x1x128xi32, #tpu.memory_space<hbm>> -> memref<1x1x128xi32, #tpu.memory_space<hbm>>
          %dma_wait3A_74 = tpu.memref_squeeze %dma_wait3A_73 : memref<1x1x128xi32, #tpu.memory_space<hbm>> -> memref<1x128xi32, #tpu.memory_space<hbm>>
          tpu.wait_dma2 semaphore(%run_scoped3A : memref<!tpu.dma_semaphore, #tpu.memory_space<semaphore_mem>>) src(%dma_wait3A_74 : memref<1x128xi32, #tpu.memory_space<hbm>>) dst(%arg7 : memref<1x128xi32, #tpu.memory_space<vmem>>)
          tpu.yield
        }) : () -> ()
        %dma_start3A_52 = arith.constant 0 : i32
        %dma_start3A_53 = arith.constant 0 : i32
        %dma_start3A_54 = tpu.memref_slice %arg7[%dma_start3A_52, %dma_start3A_53] : memref<1x128xi32, #tpu.memory_space<vmem>> -> memref<1x128xi32, #tpu.memory_space<vmem>>
        %dma_start3A_55 = tpu.memref_squeeze %dma_start3A_54 : memref<1x128xi32, #tpu.memory_space<vmem>> -> memref<128xi32, #tpu.memory_space<vmem>>
        %dma_start3A_56 = arith.constant 0 : i32
        %dma_start3A_57 = arith.constant 0 : i32
        %dma_start3A_58 = tpu.memref_slice %arg2[%dma_start3A_56, %dma_start3A_57] : memref<10000x128xf32, #tpu.memory_space<hbm>> -> memref<10000x128xf32, #tpu.memory_space<hbm>>
        tpu.enqueue_indirect_dma source(%dma_start3A_58 : memref<10000x128xf32, #tpu.memory_space<hbm>>) target(%arg10 : memref<128x128xf32, #tpu.memory_space<vmem>>) offsets(%dma_start3A_55 : memref<128xi32, #tpu.memory_space<vmem>>) semaphore(%arg13 : memref<!tpu.dma_semaphore, #tpu.memory_space<semaphore_mem>>)
      } else {
      }
      %add3A_42 = arith.constant 1 : i32
      %add3A_43 = arith.addi %mul3A_25, %add3A_42 : i32
      %lt3A_44 = arith.constant 79 : i32
      %lt3A_45 = arith.cmpi slt, %add3A_43, %lt3A_44 : i32
      %convert_element_type3A_46 = arith.extui %lt3A_45 : i1 to i32
      %cond3A_47 = arith.constant 0 : i32
      %cond3A_48 = arith.cmpi ne, %convert_element_type3A_46, %cond3A_47 : i32
      scf.if %cond3A_48 {
        %dma_wait3A_49 = arith.constant 0 : i32
        %dma_wait3A_50 = arith.constant 0 : i32
        %dma_wait3A_51 = tpu.memref_slice %arg2[%dma_wait3A_49, %dma_wait3A_50] : memref<10000x128xf32, #tpu.memory_space<hbm>> -> memref<128x128xf32, #tpu.memory_space<hbm>>
        %dma_wait3A_52 = arith.constant 0 : i32
        %dma_wait3A_53 = arith.constant 0 : i32
        %dma_wait3A_54 = tpu.memref_slice %arg2[%dma_wait3A_52, %dma_wait3A_53] : memref<10000x128xf32, #tpu.memory_space<hbm>> -> memref<128x128xf32, #tpu.memory_space<hbm>>
        tpu.wait_dma2 semaphore(%arg13 : memref<!tpu.dma_semaphore, #tpu.memory_space<semaphore_mem>>) src(%dma_wait3A_54 : memref<128x128xf32, #tpu.memory_space<hbm>>) dst(%arg11 : memref<128x128xf32, #tpu.memory_space<vmem>>)
        %add3A_55 = arith.constant 1 : i32
        %add3A_56 = arith.addi %mul3A_25, %add3A_55 : i32
        "tpu.region"() ({
          %run_scoped3A = tpu.sem_alloc : memref<!tpu.dma_semaphore, #tpu.memory_space<semaphore_mem>>
          %dma_start3A_57 = arith.constant 0 : i32
          %dma_start3A_58 = tpu.memref_slice %arg9[%add3A_56, %dma_start3A_57] : memref<79x128xi32, #tpu.memory_space<vmem>> -> memref<1x128xi32, #tpu.memory_space<vmem>>
          %dma_start3A_59 = tpu.memref_squeeze %dma_start3A_58 : memref<1x128xi32, #tpu.memory_space<vmem>> -> memref<128xi32, #tpu.memory_space<vmem>>
          %dma_start3A_60 = arith.constant 0 : i32
          %dma_start3A_61 = arith.constant 0 : i32
          %dma_start3A_62 = tpu.memref_slice %arg12[%dma_start3A_60, %dma_start3A_61] : memref<10240x128xf32, #tpu.memory_space<vmem_shared>> -> memref<10240x128xf32, #tpu.memory_space<vmem_shared>>
          tpu.enqueue_indirect_dma source(%arg11 : memref<128x128xf32, #tpu.memory_space<vmem>>) target(%dma_start3A_62 : memref<10240x128xf32, #tpu.memory_space<vmem_shared>>) offsets(%dma_start3A_59 : memref<128xi32, #tpu.memory_space<vmem>>) semaphore(%run_scoped3A : memref<!tpu.dma_semaphore, #tpu.memory_space<semaphore_mem>>) {add = true}
          %dma_wait3A_63 = arith.constant 0 : i32
          %dma_wait3A_64 = tpu.memref_slice %arg9[%add3A_56, %dma_wait3A_63] : memref<79x128xi32, #tpu.memory_space<vmem>> -> memref<1x128xi32, #tpu.memory_space<vmem>>
          %dma_wait3A_65 = tpu.memref_squeeze %dma_wait3A_64 : memref<1x128xi32, #tpu.memory_space<vmem>> -> memref<128xi32, #tpu.memory_space<vmem>>
          %dma_wait3A_66 = arith.constant 0 : i32
          %dma_wait3A_67 = arith.constant 0 : i32
          %dma_wait3A_68 = tpu.memref_slice %arg12[%dma_wait3A_66, %dma_wait3A_67] : memref<10240x128xf32, #tpu.memory_space<vmem_shared>> -> memref<10240x128xf32, #tpu.memory_space<vmem_shared>>
          tpu.wait_indirect_dma semaphore(%run_scoped3A : memref<!tpu.dma_semaphore, #tpu.memory_space<semaphore_mem>>) src(%arg11 : memref<128x128xf32, #tpu.memory_space<vmem>>) dst(%dma_wait3A_68 : memref<10240x128xf32, #tpu.memory_space<vmem_shared>>)
          tpu.yield
        }) : () -> ()
      } else {
      }
    }
    %scan3A_21 = arith.constant 40 : i32
    %barrier3A_22 = arith.constant 0 : index
    tpu.barrier barrier_id(%barrier3A_22)
    "tpu.region"() ({
      %run_scoped3A = tpu.sem_alloc : memref<!tpu.dma_semaphore, #tpu.memory_space<semaphore_mem>>
      %dma_start3A_23 = arith.constant 0 : i32
      %dma_start3A_24 = tpu.memref_slice %arg6[%arg0, %mul3A_2, %dma_start3A_23] : memref<2x10240x128xf32, #tpu.memory_space<hbm>> -> memref<1x640x128xf32, #tpu.memory_space<hbm>>
      %dma_start3A_25 = tpu.memref_squeeze %dma_start3A_24 : memref<1x640x128xf32, #tpu.memory_space<hbm>> -> memref<640x128xf32, #tpu.memory_space<hbm>>
      %dma_start3A_26 = arith.constant 0 : i32
      %dma_start3A_27 = tpu.memref_slice %arg12[%mul3A_2, %dma_start3A_26] : memref<10240x128xf32, #tpu.memory_space<vmem_shared>> -> memref<640x128xf32, #tpu.memory_space<vmem_shared>>
      tpu.enqueue_dma source(%dma_start3A_27 : memref<640x128xf32, #tpu.memory_space<vmem_shared>>) target(%dma_start3A_25 : memref<640x128xf32, #tpu.memory_space<hbm>>) target_semaphore(%run_scoped3A : memref<!tpu.dma_semaphore, #tpu.memory_space<semaphore_mem>>)
      %dma_wait3A = arith.constant 0 : i32
      %dma_wait3A_28 = tpu.memref_slice %arg6[%arg0, %mul3A_2, %dma_wait3A] : memref<2x10240x128xf32, #tpu.memory_space<hbm>> -> memref<1x640x128xf32, #tpu.memory_space<hbm>>
      %dma_wait3A_29 = tpu.memref_squeeze %dma_wait3A_28 : memref<1x640x128xf32, #tpu.memory_space<hbm>> -> memref<640x128xf32, #tpu.memory_space<hbm>>
      %dma_wait3A_30 = arith.constant 0 : i32
      %dma_wait3A_31 = tpu.memref_slice %arg12[%mul3A_2, %dma_wait3A_30] : memref<10240x128xf32, #tpu.memory_space<vmem_shared>> -> memref<640x128xf32, #tpu.memory_space<vmem_shared>>
      tpu.wait_dma2 semaphore(%run_scoped3A : memref<!tpu.dma_semaphore, #tpu.memory_space<semaphore_mem>>) src(%dma_wait3A_31 : memref<640x128xf32, #tpu.memory_space<vmem_shared>>) dst(%dma_wait3A_29 : memref<640x128xf32, #tpu.memory_space<hbm>>)
      tpu.yield
    }) : () -> ()
    return
  }
}

#map = affine_map<(d0, d1) -> (0)>
#map1 = affine_map<(d0, d1) -> (0, 0)>
#map2 = affine_map<(d0, d1) -> (0, 0, 0)>
module attributes {stable_mosaic.version = 14 : i64} {
  func.func @_sc_pre_body(%arg0: i32, %arg1: i32, %arg2: memref<10240xi32, #tpu.memory_space<hbm>>, %arg3: memref<10240xi32, #tpu.memory_space<hbm>>, %arg4: memref<1024x128xf32, #tpu.memory_space<hbm>>, %arg5: memref<10000x128xf32, #tpu.memory_space<hbm>>, %arg6: memref<323584xi32, #tpu.memory_space<hbm>>, %arg7: memref<128x128xf32, #tpu.memory_space<hbm>>, %arg8: memref<64x128xf32, #tpu.memory_space<hbm>>, %arg9: memref<10240x128xf32, #tpu.memory_space<hbm>>, %arg10: memref<10240x128xf32, #tpu.memory_space<hbm>>, %arg11: memref<2x10240x128xf32, #tpu.memory_space<hbm>>, %arg12: memref<64xi32, #tpu.memory_space<vmem>>, %arg13: memref<64xi32, #tpu.memory_space<vmem>>, %arg14: memref<64x128xf32, #tpu.memory_space<vmem>>, %arg15: memref<64x128xf32, #tpu.memory_space<vmem>>, %arg16: memref<128xi32, #tpu.memory_space<vmem>>, %arg17: memref<128xi32, #tpu.memory_space<vmem>>, %arg18: memref<128x128xf32, #tpu.memory_space<vmem>>, %arg19: memref<64x128xf32, #tpu.memory_space<vmem>>, %arg20: memref<10240x128xf32, #tpu.memory_space<vmem_shared>>, %arg21: memref<!tpu.dma_semaphore, #tpu.memory_space<semaphore_mem>>, %arg22: memref<!tpu.dma_semaphore, #tpu.memory_space<semaphore_mem>>) attributes {dimension_semantics = [#tpu.dimension_semantics<core_parallel>, #tpu.dimension_semantics<subcore_parallel>], iteration_bounds = array<i64: 2, 16>, scalar_prefetch = 0 : i64, scratch_operands = 11 : i64, tpu.core_type = #tpu.core_type<sc_vector_subcore>, window_params = [{transform_indices = #map}, {transform_indices = #map}, {transform_indices = #map1}, {transform_indices = #map1}, {transform_indices = #map}, {transform_indices = #map1}, {transform_indices = #map1}, {transform_indices = #map1}, {transform_indices = #map1}, {transform_indices = #map2}]} {
    %mul3A = arith.constant 16 : i32
    %mul3A_0 = arith.muli %arg0, %mul3A : i32
    %add3A = arith.addi %mul3A_0, %arg1 : i32
    %mul3A_1 = arith.constant 320 : i32
    %mul3A_2 = arith.muli %add3A, %mul3A_1 : i32
    "tpu.region"() ({
      %run_scoped3A = tpu.sem_alloc : memref<!tpu.dma_semaphore, #tpu.memory_space<semaphore_mem>>
      tpu.enqueue_dma source(%arg7 : memref<128x128xf32, #tpu.memory_space<hbm>>) target(%arg18 : memref<128x128xf32, #tpu.memory_space<vmem>>) target_semaphore(%run_scoped3A : memref<!tpu.dma_semaphore, #tpu.memory_space<semaphore_mem>>)
      tpu.wait_dma2 semaphore(%run_scoped3A : memref<!tpu.dma_semaphore, #tpu.memory_space<semaphore_mem>>) src(%arg7 : memref<128x128xf32, #tpu.memory_space<hbm>>) dst(%arg18 : memref<128x128xf32, #tpu.memory_space<vmem>>)
      tpu.yield
    }) : () -> ()
    "tpu.region"() ({
      %run_scoped3A = tpu.sem_alloc : memref<!tpu.dma_semaphore, #tpu.memory_space<semaphore_mem>>
      tpu.enqueue_dma source(%arg8 : memref<64x128xf32, #tpu.memory_space<hbm>>) target(%arg19 : memref<64x128xf32, #tpu.memory_space<vmem>>) target_semaphore(%run_scoped3A : memref<!tpu.dma_semaphore, #tpu.memory_space<semaphore_mem>>)
      tpu.wait_dma2 semaphore(%run_scoped3A : memref<!tpu.dma_semaphore, #tpu.memory_space<semaphore_mem>>) src(%arg8 : memref<64x128xf32, #tpu.memory_space<hbm>>) dst(%arg19 : memref<64x128xf32, #tpu.memory_space<vmem>>)
      tpu.yield
    }) : () -> ()
    %mul3A_3 = arith.constant 640 : i32
    %mul3A_4 = arith.muli %arg1, %mul3A_3 : i32
    %scan3A = arith.constant 0 : i32
    %scan3A_5 = arith.constant 0 : i32
    %scan3A_6 = arith.constant 10 : i32
    %scan3A_7 = arith.addi %scan3A_5, %scan3A_6 : i32
    %scan3A_8 = arith.constant 1 : i32
    scf.for %scan3A_27 = %scan3A_5 to %scan3A_7 step %scan3A_8  : i32 {
      %mul3A_28 = arith.constant 64 : i32
      %mul3A_29 = arith.muli %scan3A_27, %mul3A_28 : i32
      %add3A_30 = arith.addi %mul3A_4, %mul3A_29 : i32
      "tpu.region"() ({
        %run_scoped3A = tpu.sem_alloc : memref<!tpu.dma_semaphore, #tpu.memory_space<semaphore_mem>>
        %dma_start3A_31 = arith.constant 0 : i32
        %dma_start3A_32 = tpu.memref_slice %arg20[%add3A_30, %dma_start3A_31] : memref<10240x128xf32, #tpu.memory_space<vmem_shared>> -> memref<64x128xf32, #tpu.memory_space<vmem_shared>>
        %dma_start3A_33 = arith.constant 0 : i32
        %dma_start3A_34 = tpu.memref_slice %arg20[%add3A_30, %dma_start3A_33] : memref<10240x128xf32, #tpu.memory_space<vmem_shared>> -> memref<64x128xf32, #tpu.memory_space<vmem_shared>>
        tpu.enqueue_dma source(%arg19 : memref<64x128xf32, #tpu.memory_space<vmem>>) target(%dma_start3A_34 : memref<64x128xf32, #tpu.memory_space<vmem_shared>>) target_semaphore(%run_scoped3A : memref<!tpu.dma_semaphore, #tpu.memory_space<semaphore_mem>>)
        %dma_wait3A = arith.constant 0 : i32
        %dma_wait3A_35 = tpu.memref_slice %arg20[%add3A_30, %dma_wait3A] : memref<10240x128xf32, #tpu.memory_space<vmem_shared>> -> memref<64x128xf32, #tpu.memory_space<vmem_shared>>
        %dma_wait3A_36 = arith.constant 0 : i32
        %dma_wait3A_37 = tpu.memref_slice %arg20[%add3A_30, %dma_wait3A_36] : memref<10240x128xf32, #tpu.memory_space<vmem_shared>> -> memref<64x128xf32, #tpu.memory_space<vmem_shared>>
        tpu.wait_dma2 semaphore(%run_scoped3A : memref<!tpu.dma_semaphore, #tpu.memory_space<semaphore_mem>>) src(%arg19 : memref<64x128xf32, #tpu.memory_space<vmem>>) dst(%dma_wait3A_37 : memref<64x128xf32, #tpu.memory_space<vmem_shared>>)
        tpu.yield
      }) : () -> ()
    }
    %scan3A_9 = arith.constant 10 : i32
    %barrier3A = arith.constant 0 : index
    tpu.barrier barrier_id(%barrier3A)
    %mul3A_10 = arith.constant 10112 : i32
    %mul3A_11 = arith.muli %add3A, %mul3A_10 : i32
    "tpu.region"() ({
      %run_scoped3A = tpu.sem_alloc : memref<!tpu.dma_semaphore, #tpu.memory_space<semaphore_mem>>
      %dma_start3A_27 = tpu.memref_slice %arg6[%mul3A_11] : memref<323584xi32, #tpu.memory_space<hbm>> -> memref<128xi32, #tpu.memory_space<hbm>>
      %dma_start3A_28 = tpu.memref_slice %arg6[%mul3A_11] : memref<323584xi32, #tpu.memory_space<hbm>> -> memref<128xi32, #tpu.memory_space<hbm>>
      tpu.enqueue_dma source(%dma_start3A_28 : memref<128xi32, #tpu.memory_space<hbm>>) target(%arg16 : memref<128xi32, #tpu.memory_space<vmem>>) target_semaphore(%run_scoped3A : memref<!tpu.dma_semaphore, #tpu.memory_space<semaphore_mem>>)
      %dma_wait3A = tpu.memref_slice %arg6[%mul3A_11] : memref<323584xi32, #tpu.memory_space<hbm>> -> memref<128xi32, #tpu.memory_space<hbm>>
      %dma_wait3A_29 = tpu.memref_slice %arg6[%mul3A_11] : memref<323584xi32, #tpu.memory_space<hbm>> -> memref<128xi32, #tpu.memory_space<hbm>>
      tpu.wait_dma2 semaphore(%run_scoped3A : memref<!tpu.dma_semaphore, #tpu.memory_space<semaphore_mem>>) src(%dma_wait3A_29 : memref<128xi32, #tpu.memory_space<hbm>>) dst(%arg16 : memref<128xi32, #tpu.memory_space<vmem>>)
      tpu.yield
    }) : () -> ()
    %dma_start3A = arith.constant 0 : i32
    %dma_start3A_12 = arith.constant 0 : i32
    %dma_start3A_13 = tpu.memref_slice %arg20[%dma_start3A, %dma_start3A_12] : memref<10240x128xf32, #tpu.memory_space<vmem_shared>> -> memref<10240x128xf32, #tpu.memory_space<vmem_shared>>
    tpu.enqueue_indirect_dma source(%arg18 : memref<128x128xf32, #tpu.memory_space<vmem>>) target(%dma_start3A_13 : memref<10240x128xf32, #tpu.memory_space<vmem_shared>>) offsets(%arg16 : memref<128xi32, #tpu.memory_space<vmem>>) semaphore(%arg22 : memref<!tpu.dma_semaphore, #tpu.memory_space<semaphore_mem>>) {add = true}
    %scan3A_14 = arith.constant 0 : i32
    %scan3A_15 = arith.constant 0 : i32
    %scan3A_16 = arith.constant 40 : i32
    %scan3A_17 = arith.addi %scan3A_15, %scan3A_16 : i32
    %scan3A_18 = arith.constant 1 : i32
    scf.for %scan3A_27 = %scan3A_15 to %scan3A_17 step %scan3A_18  : i32 {
      %mul3A_28 = arith.constant 2 : i32
      %mul3A_29 = arith.muli %mul3A_28, %scan3A_27 : i32
      %add3A_30 = arith.constant 1 : i32
      %add3A_31 = arith.addi %mul3A_29, %add3A_30 : i32
      %lt3A = arith.constant 79 : i32
      %lt3A_32 = arith.cmpi slt, %add3A_31, %lt3A : i32
      %convert_element_type3A = arith.extui %lt3A_32 : i1 to i32
      %cond3A = arith.constant 0 : i32
      %cond3A_33 = arith.cmpi ne, %convert_element_type3A, %cond3A : i32
      scf.if %cond3A_33 {
        %add3A_48 = arith.constant 1 : i32
        %add3A_49 = arith.addi %mul3A_29, %add3A_48 : i32
        %mul3A_50 = arith.constant 128 : i32
        %mul3A_51 = arith.muli %add3A_49, %mul3A_50 : i32
        %add3A_52 = arith.addi %mul3A_11, %mul3A_51 : i32
        "tpu.region"() ({
          %run_scoped3A = tpu.sem_alloc : memref<!tpu.dma_semaphore, #tpu.memory_space<semaphore_mem>>
          %dma_start3A_56 = tpu.memref_slice %arg6[%add3A_52] : memref<323584xi32, #tpu.memory_space<hbm>> -> memref<128xi32, #tpu.memory_space<hbm>>
          %dma_start3A_57 = tpu.memref_slice %arg6[%add3A_52] : memref<323584xi32, #tpu.memory_space<hbm>> -> memref<128xi32, #tpu.memory_space<hbm>>
          tpu.enqueue_dma source(%dma_start3A_57 : memref<128xi32, #tpu.memory_space<hbm>>) target(%arg17 : memref<128xi32, #tpu.memory_space<vmem>>) target_semaphore(%run_scoped3A : memref<!tpu.dma_semaphore, #tpu.memory_space<semaphore_mem>>)
          %dma_wait3A = tpu.memref_slice %arg6[%add3A_52] : memref<323584xi32, #tpu.memory_space<hbm>> -> memref<128xi32, #tpu.memory_space<hbm>>
          %dma_wait3A_58 = tpu.memref_slice %arg6[%add3A_52] : memref<323584xi32, #tpu.memory_space<hbm>> -> memref<128xi32, #tpu.memory_space<hbm>>
          tpu.wait_dma2 semaphore(%run_scoped3A : memref<!tpu.dma_semaphore, #tpu.memory_space<semaphore_mem>>) src(%dma_wait3A_58 : memref<128xi32, #tpu.memory_space<hbm>>) dst(%arg17 : memref<128xi32, #tpu.memory_space<vmem>>)
          tpu.yield
        }) : () -> ()
        %dma_start3A_53 = arith.constant 0 : i32
        %dma_start3A_54 = arith.constant 0 : i32
        %dma_start3A_55 = tpu.memref_slice %arg20[%dma_start3A_53, %dma_start3A_54] : memref<10240x128xf32, #tpu.memory_space<vmem_shared>> -> memref<10240x128xf32, #tpu.memory_space<vmem_shared>>
        tpu.enqueue_indirect_dma source(%arg18 : memref<128x128xf32, #tpu.memory_space<vmem>>) target(%dma_start3A_55 : memref<10240x128xf32, #tpu.memory_space<vmem_shared>>) offsets(%arg17 : memref<128xi32, #tpu.memory_space<vmem>>) semaphore(%arg22 : memref<!tpu.dma_semaphore, #tpu.memory_space<semaphore_mem>>) {add = true}
      } else {
      }
      tpu.wait_dma2 semaphore(%arg22 : memref<!tpu.dma_semaphore, #tpu.memory_space<semaphore_mem>>) src(%arg7 : memref<128x128xf32, #tpu.memory_space<hbm>>) dst(%arg18 : memref<128x128xf32, #tpu.memory_space<vmem>>)
      %add3A_34 = arith.constant 2 : i32
      %add3A_35 = arith.addi %mul3A_29, %add3A_34 : i32
      %lt3A_36 = arith.constant 79 : i32
      %lt3A_37 = arith.cmpi slt, %add3A_35, %lt3A_36 : i32
      %convert_element_type3A_38 = arith.extui %lt3A_37 : i1 to i32
      %cond3A_39 = arith.constant 0 : i32
      %cond3A_40 = arith.cmpi ne, %convert_element_type3A_38, %cond3A_39 : i32
      scf.if %cond3A_40 {
        %add3A_48 = arith.constant 2 : i32
        %add3A_49 = arith.addi %mul3A_29, %add3A_48 : i32
        %mul3A_50 = arith.constant 128 : i32
        %mul3A_51 = arith.muli %add3A_49, %mul3A_50 : i32
        %add3A_52 = arith.addi %mul3A_11, %mul3A_51 : i32
        "tpu.region"() ({
          %run_scoped3A = tpu.sem_alloc : memref<!tpu.dma_semaphore, #tpu.memory_space<semaphore_mem>>
          %dma_start3A_56 = tpu.memref_slice %arg6[%add3A_52] : memref<323584xi32, #tpu.memory_space<hbm>> -> memref<128xi32, #tpu.memory_space<hbm>>
          %dma_start3A_57 = tpu.memref_slice %arg6[%add3A_52] : memref<323584xi32, #tpu.memory_space<hbm>> -> memref<128xi32, #tpu.memory_space<hbm>>
          tpu.enqueue_dma source(%dma_start3A_57 : memref<128xi32, #tpu.memory_space<hbm>>) target(%arg16 : memref<128xi32, #tpu.memory_space<vmem>>) target_semaphore(%run_scoped3A : memref<!tpu.dma_semaphore, #tpu.memory_space<semaphore_mem>>)
          %dma_wait3A = tpu.memref_slice %arg6[%add3A_52] : memref<323584xi32, #tpu.memory_space<hbm>> -> memref<128xi32, #tpu.memory_space<hbm>>
          %dma_wait3A_58 = tpu.memref_slice %arg6[%add3A_52] : memref<323584xi32, #tpu.memory_space<hbm>> -> memref<128xi32, #tpu.memory_space<hbm>>
          tpu.wait_dma2 semaphore(%run_scoped3A : memref<!tpu.dma_semaphore, #tpu.memory_space<semaphore_mem>>) src(%dma_wait3A_58 : memref<128xi32, #tpu.memory_space<hbm>>) dst(%arg16 : memref<128xi32, #tpu.memory_space<vmem>>)
          tpu.yield
        }) : () -> ()
        %dma_start3A_53 = arith.constant 0 : i32
        %dma_start3A_54 = arith.constant 0 : i32
        %dma_start3A_55 = tpu.memref_slice %arg20[%dma_start3A_53, %dma_start3A_54] : memref<10240x128xf32, #tpu.memory_space<vmem_shared>> -> memref<10240x128xf32, #tpu.memory_space<vmem_shared>>
        tpu.enqueue_indirect_dma source(%arg18 : memref<128x128xf32, #tpu.memory_space<vmem>>) target(%dma_start3A_55 : memref<10240x128xf32, #tpu.memory_space<vmem_shared>>) offsets(%arg16 : memref<128xi32, #tpu.memory_space<vmem>>) semaphore(%arg22 : memref<!tpu.dma_semaphore, #tpu.memory_space<semaphore_mem>>) {add = true}
      } else {
      }
      %add3A_41 = arith.constant 1 : i32
      %add3A_42 = arith.addi %mul3A_29, %add3A_41 : i32
      %lt3A_43 = arith.constant 79 : i32
      %lt3A_44 = arith.cmpi slt, %add3A_42, %lt3A_43 : i32
      %convert_element_type3A_45 = arith.extui %lt3A_44 : i1 to i32
      %cond3A_46 = arith.constant 0 : i32
      %cond3A_47 = arith.cmpi ne, %convert_element_type3A_45, %cond3A_46 : i32
      scf.if %cond3A_47 {
        tpu.wait_dma2 semaphore(%arg22 : memref<!tpu.dma_semaphore, #tpu.memory_space<semaphore_mem>>) src(%arg7 : memref<128x128xf32, #tpu.memory_space<hbm>>) dst(%arg18 : memref<128x128xf32, #tpu.memory_space<vmem>>)
      } else {
      }
    }
    %scan3A_19 = arith.constant 40 : i32
    %scan3A_20 = arith.constant 0 : i32
    %scan3A_21 = arith.constant 0 : i32
    %scan3A_22 = arith.constant 5 : i32
    %scan3A_23 = arith.addi %scan3A_21, %scan3A_22 : i32
    %scan3A_24 = arith.constant 1 : i32
    scf.for %scan3A_27 = %scan3A_21 to %scan3A_23 step %scan3A_24  : i32 {
      %mul3A_28 = arith.constant 64 : i32
      %mul3A_29 = arith.muli %scan3A_27, %mul3A_28 : i32
      %add3A_30 = arith.addi %mul3A_2, %mul3A_29 : i32
      "tpu.region"() ({
        %run_scoped3A = tpu.sem_alloc : memref<!tpu.dma_semaphore, #tpu.memory_space<semaphore_mem>>
        %dma_start3A_48 = tpu.memref_slice %arg2[%add3A_30] : memref<10240xi32, #tpu.memory_space<hbm>> -> memref<64xi32, #tpu.memory_space<hbm>>
        %dma_start3A_49 = tpu.memref_slice %arg2[%add3A_30] : memref<10240xi32, #tpu.memory_space<hbm>> -> memref<64xi32, #tpu.memory_space<hbm>>
        tpu.enqueue_dma source(%dma_start3A_49 : memref<64xi32, #tpu.memory_space<hbm>>) target(%arg12 : memref<64xi32, #tpu.memory_space<vmem>>) target_semaphore(%run_scoped3A : memref<!tpu.dma_semaphore, #tpu.memory_space<semaphore_mem>>)
        %dma_wait3A_50 = tpu.memref_slice %arg2[%add3A_30] : memref<10240xi32, #tpu.memory_space<hbm>> -> memref<64xi32, #tpu.memory_space<hbm>>
        %dma_wait3A_51 = tpu.memref_slice %arg2[%add3A_30] : memref<10240xi32, #tpu.memory_space<hbm>> -> memref<64xi32, #tpu.memory_space<hbm>>
        tpu.wait_dma2 semaphore(%run_scoped3A : memref<!tpu.dma_semaphore, #tpu.memory_space<semaphore_mem>>) src(%dma_wait3A_51 : memref<64xi32, #tpu.memory_space<hbm>>) dst(%arg12 : memref<64xi32, #tpu.memory_space<vmem>>)
        tpu.yield
      }) : () -> ()
      %dma_start3A_31 = arith.constant 0 : i32
      %dma_start3A_32 = arith.constant 0 : i32
      %dma_start3A_33 = tpu.memref_slice %arg5[%dma_start3A_31, %dma_start3A_32] : memref<10000x128xf32, #tpu.memory_space<hbm>> -> memref<10000x128xf32, #tpu.memory_space<hbm>>
      tpu.enqueue_indirect_dma source(%dma_start3A_33 : memref<10000x128xf32, #tpu.memory_space<hbm>>) target(%arg14 : memref<64x128xf32, #tpu.memory_space<vmem>>) offsets(%arg12 : memref<64xi32, #tpu.memory_space<vmem>>) semaphore(%arg21 : memref<!tpu.dma_semaphore, #tpu.memory_space<semaphore_mem>>)
      "tpu.region"() ({
        %run_scoped3A = tpu.sem_alloc : memref<!tpu.dma_semaphore, #tpu.memory_space<semaphore_mem>>
        %dma_start3A_48 = tpu.memref_slice %arg3[%add3A_30] : memref<10240xi32, #tpu.memory_space<hbm>> -> memref<64xi32, #tpu.memory_space<hbm>>
        %dma_start3A_49 = tpu.memref_slice %arg3[%add3A_30] : memref<10240xi32, #tpu.memory_space<hbm>> -> memref<64xi32, #tpu.memory_space<hbm>>
        tpu.enqueue_dma source(%dma_start3A_49 : memref<64xi32, #tpu.memory_space<hbm>>) target(%arg13 : memref<64xi32, #tpu.memory_space<vmem>>) target_semaphore(%run_scoped3A : memref<!tpu.dma_semaphore, #tpu.memory_space<semaphore_mem>>)
        %dma_wait3A_50 = tpu.memref_slice %arg3[%add3A_30] : memref<10240xi32, #tpu.memory_space<hbm>> -> memref<64xi32, #tpu.memory_space<hbm>>
        %dma_wait3A_51 = tpu.memref_slice %arg3[%add3A_30] : memref<10240xi32, #tpu.memory_space<hbm>> -> memref<64xi32, #tpu.memory_space<hbm>>
        tpu.wait_dma2 semaphore(%run_scoped3A : memref<!tpu.dma_semaphore, #tpu.memory_space<semaphore_mem>>) src(%dma_wait3A_51 : memref<64xi32, #tpu.memory_space<hbm>>) dst(%arg13 : memref<64xi32, #tpu.memory_space<vmem>>)
        tpu.yield
      }) : () -> ()
      %dma_start3A_34 = arith.constant 0 : i32
      %dma_start3A_35 = arith.constant 0 : i32
      %dma_start3A_36 = tpu.memref_slice %arg4[%dma_start3A_34, %dma_start3A_35] : memref<1024x128xf32, #tpu.memory_space<hbm>> -> memref<1024x128xf32, #tpu.memory_space<hbm>>
      tpu.enqueue_indirect_dma source(%dma_start3A_36 : memref<1024x128xf32, #tpu.memory_space<hbm>>) target(%arg15 : memref<64x128xf32, #tpu.memory_space<vmem>>) offsets(%arg13 : memref<64xi32, #tpu.memory_space<vmem>>) semaphore(%arg21 : memref<!tpu.dma_semaphore, #tpu.memory_space<semaphore_mem>>)
      %dma_wait3A = arith.constant 0 : i32
      %dma_wait3A_37 = arith.constant 0 : i32
      %dma_wait3A_38 = tpu.memref_slice %arg5[%dma_wait3A, %dma_wait3A_37] : memref<10000x128xf32, #tpu.memory_space<hbm>> -> memref<64x128xf32, #tpu.memory_space<hbm>>
      %dma_wait3A_39 = arith.constant 0 : i32
      %dma_wait3A_40 = arith.constant 0 : i32
      %dma_wait3A_41 = tpu.memref_slice %arg5[%dma_wait3A_39, %dma_wait3A_40] : memref<10000x128xf32, #tpu.memory_space<hbm>> -> memref<64x128xf32, #tpu.memory_space<hbm>>
      tpu.wait_dma2 semaphore(%arg21 : memref<!tpu.dma_semaphore, #tpu.memory_space<semaphore_mem>>) src(%dma_wait3A_41 : memref<64x128xf32, #tpu.memory_space<hbm>>) dst(%arg14 : memref<64x128xf32, #tpu.memory_space<vmem>>)
      "tpu.region"() ({
        %run_scoped3A = tpu.sem_alloc : memref<!tpu.dma_semaphore, #tpu.memory_space<semaphore_mem>>
        %dma_start3A_48 = arith.constant 0 : i32
        %dma_start3A_49 = tpu.memref_slice %arg9[%add3A_30, %dma_start3A_48] : memref<10240x128xf32, #tpu.memory_space<hbm>> -> memref<64x128xf32, #tpu.memory_space<hbm>>
        %dma_start3A_50 = arith.constant 0 : i32
        %dma_start3A_51 = tpu.memref_slice %arg9[%add3A_30, %dma_start3A_50] : memref<10240x128xf32, #tpu.memory_space<hbm>> -> memref<64x128xf32, #tpu.memory_space<hbm>>
        tpu.enqueue_dma source(%arg14 : memref<64x128xf32, #tpu.memory_space<vmem>>) target(%dma_start3A_51 : memref<64x128xf32, #tpu.memory_space<hbm>>) target_semaphore(%run_scoped3A : memref<!tpu.dma_semaphore, #tpu.memory_space<semaphore_mem>>)
        %dma_wait3A_52 = arith.constant 0 : i32
        %dma_wait3A_53 = tpu.memref_slice %arg9[%add3A_30, %dma_wait3A_52] : memref<10240x128xf32, #tpu.memory_space<hbm>> -> memref<64x128xf32, #tpu.memory_space<hbm>>
        %dma_wait3A_54 = arith.constant 0 : i32
        %dma_wait3A_55 = tpu.memref_slice %arg9[%add3A_30, %dma_wait3A_54] : memref<10240x128xf32, #tpu.memory_space<hbm>> -> memref<64x128xf32, #tpu.memory_space<hbm>>
        tpu.wait_dma2 semaphore(%run_scoped3A : memref<!tpu.dma_semaphore, #tpu.memory_space<semaphore_mem>>) src(%arg14 : memref<64x128xf32, #tpu.memory_space<vmem>>) dst(%dma_wait3A_55 : memref<64x128xf32, #tpu.memory_space<hbm>>)
        tpu.yield
      }) : () -> ()
      %dma_wait3A_42 = arith.constant 0 : i32
      %dma_wait3A_43 = arith.constant 0 : i32
      %dma_wait3A_44 = tpu.memref_slice %arg4[%dma_wait3A_42, %dma_wait3A_43] : memref<1024x128xf32, #tpu.memory_space<hbm>> -> memref<64x128xf32, #tpu.memory_space<hbm>>
      %dma_wait3A_45 = arith.constant 0 : i32
      %dma_wait3A_46 = arith.constant 0 : i32
      %dma_wait3A_47 = tpu.memref_slice %arg4[%dma_wait3A_45, %dma_wait3A_46] : memref<1024x128xf32, #tpu.memory_space<hbm>> -> memref<64x128xf32, #tpu.memory_space<hbm>>
      tpu.wait_dma2 semaphore(%arg21 : memref<!tpu.dma_semaphore, #tpu.memory_space<semaphore_mem>>) src(%dma_wait3A_47 : memref<64x128xf32, #tpu.memory_space<hbm>>) dst(%arg15 : memref<64x128xf32, #tpu.memory_space<vmem>>)
      "tpu.region"() ({
        %run_scoped3A = tpu.sem_alloc : memref<!tpu.dma_semaphore, #tpu.memory_space<semaphore_mem>>
        %dma_start3A_48 = arith.constant 0 : i32
        %dma_start3A_49 = tpu.memref_slice %arg10[%add3A_30, %dma_start3A_48] : memref<10240x128xf32, #tpu.memory_space<hbm>> -> memref<64x128xf32, #tpu.memory_space<hbm>>
        %dma_start3A_50 = arith.constant 0 : i32
        %dma_start3A_51 = tpu.memref_slice %arg10[%add3A_30, %dma_start3A_50] : memref<10240x128xf32, #tpu.memory_space<hbm>> -> memref<64x128xf32, #tpu.memory_space<hbm>>
        tpu.enqueue_dma source(%arg15 : memref<64x128xf32, #tpu.memory_space<vmem>>) target(%dma_start3A_51 : memref<64x128xf32, #tpu.memory_space<hbm>>) target_semaphore(%run_scoped3A : memref<!tpu.dma_semaphore, #tpu.memory_space<semaphore_mem>>)
        %dma_wait3A_52 = arith.constant 0 : i32
        %dma_wait3A_53 = tpu.memref_slice %arg10[%add3A_30, %dma_wait3A_52] : memref<10240x128xf32, #tpu.memory_space<hbm>> -> memref<64x128xf32, #tpu.memory_space<hbm>>
        %dma_wait3A_54 = arith.constant 0 : i32
        %dma_wait3A_55 = tpu.memref_slice %arg10[%add3A_30, %dma_wait3A_54] : memref<10240x128xf32, #tpu.memory_space<hbm>> -> memref<64x128xf32, #tpu.memory_space<hbm>>
        tpu.wait_dma2 semaphore(%run_scoped3A : memref<!tpu.dma_semaphore, #tpu.memory_space<semaphore_mem>>) src(%arg15 : memref<64x128xf32, #tpu.memory_space<vmem>>) dst(%dma_wait3A_55 : memref<64x128xf32, #tpu.memory_space<hbm>>)
        tpu.yield
      }) : () -> ()
    }
    %scan3A_25 = arith.constant 5 : i32
    %barrier3A_26 = arith.constant 0 : index
    tpu.barrier barrier_id(%barrier3A_26)
    "tpu.region"() ({
      %run_scoped3A = tpu.sem_alloc : memref<!tpu.dma_semaphore, #tpu.memory_space<semaphore_mem>>
      %dma_start3A_27 = arith.constant 0 : i32
      %dma_start3A_28 = tpu.memref_slice %arg11[%arg0, %mul3A_4, %dma_start3A_27] : memref<2x10240x128xf32, #tpu.memory_space<hbm>> -> memref<1x640x128xf32, #tpu.memory_space<hbm>>
      %dma_start3A_29 = tpu.memref_squeeze %dma_start3A_28 : memref<1x640x128xf32, #tpu.memory_space<hbm>> -> memref<640x128xf32, #tpu.memory_space<hbm>>
      %dma_start3A_30 = arith.constant 0 : i32
      %dma_start3A_31 = tpu.memref_slice %arg20[%mul3A_4, %dma_start3A_30] : memref<10240x128xf32, #tpu.memory_space<vmem_shared>> -> memref<640x128xf32, #tpu.memory_space<vmem_shared>>
      tpu.enqueue_dma source(%dma_start3A_31 : memref<640x128xf32, #tpu.memory_space<vmem_shared>>) target(%dma_start3A_29 : memref<640x128xf32, #tpu.memory_space<hbm>>) target_semaphore(%run_scoped3A : memref<!tpu.dma_semaphore, #tpu.memory_space<semaphore_mem>>)
      %dma_wait3A = arith.constant 0 : i32
      %dma_wait3A_32 = tpu.memref_slice %arg11[%arg0, %mul3A_4, %dma_wait3A] : memref<2x10240x128xf32, #tpu.memory_space<hbm>> -> memref<1x640x128xf32, #tpu.memory_space<hbm>>
      %dma_wait3A_33 = tpu.memref_squeeze %dma_wait3A_32 : memref<1x640x128xf32, #tpu.memory_space<hbm>> -> memref<640x128xf32, #tpu.memory_space<hbm>>
      %dma_wait3A_34 = arith.constant 0 : i32
      %dma_wait3A_35 = tpu.memref_slice %arg20[%mul3A_4, %dma_wait3A_34] : memref<10240x128xf32, #tpu.memory_space<vmem_shared>> -> memref<640x128xf32, #tpu.memory_space<vmem_shared>>
      tpu.wait_dma2 semaphore(%run_scoped3A : memref<!tpu.dma_semaphore, #tpu.memory_space<semaphore_mem>>) src(%dma_wait3A_35 : memref<640x128xf32, #tpu.memory_space<vmem_shared>>) dst(%dma_wait3A_33 : memref<640x128xf32, #tpu.memory_space<hbm>>)
      tpu.yield
    }) : () -> ()
    return
  }
}

#map = affine_map<(d0, d1) -> (0, 0)>
#map1 = affine_map<(d0, d1) -> (0, 0, 0)>
module attributes {stable_mosaic.version = 14 : i64} {
  func.func @_sc_agg_body(%arg0: i32, %arg1: i32, %arg2: memref<10000x128xf32, #tpu.memory_space<hbm>>, %arg3: memref<2528x1x128xi32, #tpu.memory_space<hbm>>, %arg4: memref<32x79x128xi32, #tpu.memory_space<hbm>>, %arg5: memref<64x128xf32, #tpu.memory_space<hbm>>, %arg6: memref<2x10240x128xf32, #tpu.memory_space<hbm>>, %arg7: memref<1x128xi32, #tpu.memory_space<vmem>>, %arg8: memref<1x128xi32, #tpu.memory_space<vmem>>, %arg9: memref<79x128xi32, #tpu.memory_space<vmem>>, %arg10: memref<128x128xf32, #tpu.memory_space<vmem>>, %arg11: memref<128x128xf32, #tpu.memory_space<vmem>>, %arg12: memref<10240x128xf32, #tpu.memory_space<vmem_shared>>, %arg13: memref<!tpu.dma_semaphore, #tpu.memory_space<semaphore_mem>>) attributes {dimension_semantics = [#tpu.dimension_semantics<core_parallel>, #tpu.dimension_semantics<subcore_parallel>], iteration_bounds = array<i64: 2, 16>, scalar_prefetch = 0 : i64, scratch_operands = 7 : i64, tpu.core_type = #tpu.core_type<sc_vector_subcore>, window_params = [{transform_indices = #map}, {transform_indices = #map1}, {transform_indices = #map1}, {transform_indices = #map}, {transform_indices = #map1}]} {
    %mul3A = arith.constant 16 : i32
    %mul3A_0 = arith.muli %arg0, %mul3A : i32
    %add3A = arith.addi %mul3A_0, %arg1 : i32
    %mul3A_1 = arith.constant 640 : i32
    %mul3A_2 = arith.muli %arg1, %mul3A_1 : i32
    "tpu.region"() ({
      %run_scoped3A = tpu.sem_alloc : memref<!tpu.dma_semaphore, #tpu.memory_space<semaphore_mem>>
      %dma_start3A_23 = arith.constant 0 : i32
      %dma_start3A_24 = arith.constant 0 : i32
      %dma_start3A_25 = tpu.memref_slice %arg4[%add3A, %dma_start3A_23, %dma_start3A_24] : memref<32x79x128xi32, #tpu.memory_space<hbm>> -> memref<1x79x128xi32, #tpu.memory_space<hbm>>
      %dma_start3A_26 = tpu.memref_squeeze %dma_start3A_25 : memref<1x79x128xi32, #tpu.memory_space<hbm>> -> memref<79x128xi32, #tpu.memory_space<hbm>>
      %dma_start3A_27 = arith.constant 0 : i32
      %dma_start3A_28 = arith.constant 0 : i32
      %dma_start3A_29 = tpu.memref_slice %arg4[%add3A, %dma_start3A_27, %dma_start3A_28] : memref<32x79x128xi32, #tpu.memory_space<hbm>> -> memref<1x79x128xi32, #tpu.memory_space<hbm>>
      %dma_start3A_30 = tpu.memref_squeeze %dma_start3A_29 : memref<1x79x128xi32, #tpu.memory_space<hbm>> -> memref<79x128xi32, #tpu.memory_space<hbm>>
      tpu.enqueue_dma source(%dma_start3A_30 : memref<79x128xi32, #tpu.memory_space<hbm>>) target(%arg9 : memref<79x128xi32, #tpu.memory_space<vmem>>) target_semaphore(%run_scoped3A : memref<!tpu.dma_semaphore, #tpu.memory_space<semaphore_mem>>)
      %dma_wait3A = arith.constant 0 : i32
      %dma_wait3A_31 = arith.constant 0 : i32
      %dma_wait3A_32 = tpu.memref_slice %arg4[%add3A, %dma_wait3A, %dma_wait3A_31] : memref<32x79x128xi32, #tpu.memory_space<hbm>> -> memref<1x79x128xi32, #tpu.memory_space<hbm>>
      %dma_wait3A_33 = tpu.memref_squeeze %dma_wait3A_32 : memref<1x79x128xi32, #tpu.memory_space<hbm>> -> memref<79x128xi32, #tpu.memory_space<hbm>>
      %dma_wait3A_34 = arith.constant 0 : i32
      %dma_wait3A_35 = arith.constant 0 : i32
      %dma_wait3A_36 = tpu.memref_slice %arg4[%add3A, %dma_wait3A_34, %dma_wait3A_35] : memref<32x79x128xi32, #tpu.memory_space<hbm>> -> memref<1x79x128xi32, #tpu.memory_space<hbm>>
      %dma_wait3A_37 = tpu.memref_squeeze %dma_wait3A_36 : memref<1x79x128xi32, #tpu.memory_space<hbm>> -> memref<79x128xi32, #tpu.memory_space<hbm>>
      tpu.wait_dma2 semaphore(%run_scoped3A : memref<!tpu.dma_semaphore, #tpu.memory_space<semaphore_mem>>) src(%dma_wait3A_37 : memref<79x128xi32, #tpu.memory_space<hbm>>) dst(%arg9 : memref<79x128xi32, #tpu.memory_space<vmem>>)
      tpu.yield
    }) : () -> ()
    %scan3A = arith.constant 0 : i32
    %scan3A_3 = arith.constant 0 : i32
    %scan3A_4 = arith.constant 10 : i32
    %scan3A_5 = arith.addi %scan3A_3, %scan3A_4 : i32
    %scan3A_6 = arith.constant 1 : i32
    scf.for %scan3A_23 = %scan3A_3 to %scan3A_5 step %scan3A_6  : i32 {
      %mul3A_24 = arith.constant 64 : i32
      %mul3A_25 = arith.muli %scan3A_23, %mul3A_24 : i32
      %add3A_26 = arith.addi %mul3A_2, %mul3A_25 : i32
      "tpu.region"() ({
        %run_scoped3A = tpu.sem_alloc : memref<!tpu.dma_semaphore, #tpu.memory_space<semaphore_mem>>
        %dma_start3A_27 = arith.constant 0 : i32
        %dma_start3A_28 = tpu.memref_slice %arg12[%add3A_26, %dma_start3A_27] : memref<10240x128xf32, #tpu.memory_space<vmem_shared>> -> memref<64x128xf32, #tpu.memory_space<vmem_shared>>
        tpu.enqueue_dma source(%arg5 : memref<64x128xf32, #tpu.memory_space<hbm>>) target(%dma_start3A_28 : memref<64x128xf32, #tpu.memory_space<vmem_shared>>) target_semaphore(%run_scoped3A : memref<!tpu.dma_semaphore, #tpu.memory_space<semaphore_mem>>)
        %dma_wait3A = arith.constant 0 : i32
        %dma_wait3A_29 = tpu.memref_slice %arg12[%add3A_26, %dma_wait3A] : memref<10240x128xf32, #tpu.memory_space<vmem_shared>> -> memref<64x128xf32, #tpu.memory_space<vmem_shared>>
        tpu.wait_dma2 semaphore(%run_scoped3A : memref<!tpu.dma_semaphore, #tpu.memory_space<semaphore_mem>>) src(%arg5 : memref<64x128xf32, #tpu.memory_space<hbm>>) dst(%dma_wait3A_29 : memref<64x128xf32, #tpu.memory_space<vmem_shared>>)
        tpu.yield
      }) : () -> ()
    }
    %scan3A_7 = arith.constant 10 : i32
    %barrier3A = arith.constant 0 : index
    tpu.barrier barrier_id(%barrier3A)
    %mul3A_8 = arith.constant 79 : i32
    %mul3A_9 = arith.muli %add3A, %mul3A_8 : i32
    "tpu.region"() ({
      %run_scoped3A = tpu.sem_alloc : memref<!tpu.dma_semaphore, #tpu.memory_space<semaphore_mem>>
      %dma_start3A_23 = arith.constant 0 : i32
      %dma_start3A_24 = arith.constant 0 : i32
      %dma_start3A_25 = tpu.memref_slice %arg3[%mul3A_9, %dma_start3A_23, %dma_start3A_24] : memref<2528x1x128xi32, #tpu.memory_space<hbm>> -> memref<1x1x128xi32, #tpu.memory_space<hbm>>
      %dma_start3A_26 = tpu.memref_squeeze %dma_start3A_25 : memref<1x1x128xi32, #tpu.memory_space<hbm>> -> memref<1x128xi32, #tpu.memory_space<hbm>>
      %dma_start3A_27 = arith.constant 0 : i32
      %dma_start3A_28 = arith.constant 0 : i32
      %dma_start3A_29 = tpu.memref_slice %arg3[%mul3A_9, %dma_start3A_27, %dma_start3A_28] : memref<2528x1x128xi32, #tpu.memory_space<hbm>> -> memref<1x1x128xi32, #tpu.memory_space<hbm>>
      %dma_start3A_30 = tpu.memref_squeeze %dma_start3A_29 : memref<1x1x128xi32, #tpu.memory_space<hbm>> -> memref<1x128xi32, #tpu.memory_space<hbm>>
      tpu.enqueue_dma source(%dma_start3A_30 : memref<1x128xi32, #tpu.memory_space<hbm>>) target(%arg7 : memref<1x128xi32, #tpu.memory_space<vmem>>) target_semaphore(%run_scoped3A : memref<!tpu.dma_semaphore, #tpu.memory_space<semaphore_mem>>)
      %dma_wait3A = arith.constant 0 : i32
      %dma_wait3A_31 = arith.constant 0 : i32
      %dma_wait3A_32 = tpu.memref_slice %arg3[%mul3A_9, %dma_wait3A, %dma_wait3A_31] : memref<2528x1x128xi32, #tpu.memory_space<hbm>> -> memref<1x1x128xi32, #tpu.memory_space<hbm>>
      %dma_wait3A_33 = tpu.memref_squeeze %dma_wait3A_32 : memref<1x1x128xi32, #tpu.memory_space<hbm>> -> memref<1x128xi32, #tpu.memory_space<hbm>>
      %dma_wait3A_34 = arith.constant 0 : i32
      %dma_wait3A_35 = arith.constant 0 : i32
      %dma_wait3A_36 = tpu.memref_slice %arg3[%mul3A_9, %dma_wait3A_34, %dma_wait3A_35] : memref<2528x1x128xi32, #tpu.memory_space<hbm>> -> memref<1x1x128xi32, #tpu.memory_space<hbm>>
      %dma_wait3A_37 = tpu.memref_squeeze %dma_wait3A_36 : memref<1x1x128xi32, #tpu.memory_space<hbm>> -> memref<1x128xi32, #tpu.memory_space<hbm>>
      tpu.wait_dma2 semaphore(%run_scoped3A : memref<!tpu.dma_semaphore, #tpu.memory_space<semaphore_mem>>) src(%dma_wait3A_37 : memref<1x128xi32, #tpu.memory_space<hbm>>) dst(%arg7 : memref<1x128xi32, #tpu.memory_space<vmem>>)
      tpu.yield
    }) : () -> ()
    %dma_start3A = arith.constant 0 : i32
    %dma_start3A_10 = arith.constant 0 : i32
    %dma_start3A_11 = tpu.memref_slice %arg7[%dma_start3A, %dma_start3A_10] : memref<1x128xi32, #tpu.memory_space<vmem>> -> memref<1x128xi32, #tpu.memory_space<vmem>>
    %dma_start3A_12 = tpu.memref_squeeze %dma_start3A_11 : memref<1x128xi32, #tpu.memory_space<vmem>> -> memref<128xi32, #tpu.memory_space<vmem>>
    %dma_start3A_13 = arith.constant 0 : i32
    %dma_start3A_14 = arith.constant 0 : i32
    %dma_start3A_15 = tpu.memref_slice %arg2[%dma_start3A_13, %dma_start3A_14] : memref<10000x128xf32, #tpu.memory_space<hbm>> -> memref<10000x128xf32, #tpu.memory_space<hbm>>
    tpu.enqueue_indirect_dma source(%dma_start3A_15 : memref<10000x128xf32, #tpu.memory_space<hbm>>) target(%arg10 : memref<128x128xf32, #tpu.memory_space<vmem>>) offsets(%dma_start3A_12 : memref<128xi32, #tpu.memory_space<vmem>>) semaphore(%arg13 : memref<!tpu.dma_semaphore, #tpu.memory_space<semaphore_mem>>)
    %scan3A_16 = arith.constant 0 : i32
    %scan3A_17 = arith.constant 0 : i32
    %scan3A_18 = arith.constant 40 : i32
    %scan3A_19 = arith.addi %scan3A_17, %scan3A_18 : i32
    %scan3A_20 = arith.constant 1 : i32
    scf.for %scan3A_23 = %scan3A_17 to %scan3A_19 step %scan3A_20  : i32 {
      %mul3A_24 = arith.constant 2 : i32
      %mul3A_25 = arith.muli %mul3A_24, %scan3A_23 : i32
      %add3A_26 = arith.constant 1 : i32
      %add3A_27 = arith.addi %mul3A_25, %add3A_26 : i32
      %lt3A = arith.constant 79 : i32
      %lt3A_28 = arith.cmpi slt, %add3A_27, %lt3A : i32
      %convert_element_type3A = arith.extui %lt3A_28 : i1 to i32
      %cond3A = arith.constant 0 : i32
      %cond3A_29 = arith.cmpi ne, %convert_element_type3A, %cond3A : i32
      scf.if %cond3A_29 {
        %add3A_49 = arith.addi %mul3A_9, %mul3A_25 : i32
        %add3A_50 = arith.constant 1 : i32
        %add3A_51 = arith.addi %add3A_49, %add3A_50 : i32
        "tpu.region"() ({
          %run_scoped3A = tpu.sem_alloc : memref<!tpu.dma_semaphore, #tpu.memory_space<semaphore_mem>>
          %dma_start3A_59 = arith.constant 0 : i32
          %dma_start3A_60 = arith.constant 0 : i32
          %dma_start3A_61 = tpu.memref_slice %arg3[%add3A_51, %dma_start3A_59, %dma_start3A_60] : memref<2528x1x128xi32, #tpu.memory_space<hbm>> -> memref<1x1x128xi32, #tpu.memory_space<hbm>>
          %dma_start3A_62 = tpu.memref_squeeze %dma_start3A_61 : memref<1x1x128xi32, #tpu.memory_space<hbm>> -> memref<1x128xi32, #tpu.memory_space<hbm>>
          %dma_start3A_63 = arith.constant 0 : i32
          %dma_start3A_64 = arith.constant 0 : i32
          %dma_start3A_65 = tpu.memref_slice %arg3[%add3A_51, %dma_start3A_63, %dma_start3A_64] : memref<2528x1x128xi32, #tpu.memory_space<hbm>> -> memref<1x1x128xi32, #tpu.memory_space<hbm>>
          %dma_start3A_66 = tpu.memref_squeeze %dma_start3A_65 : memref<1x1x128xi32, #tpu.memory_space<hbm>> -> memref<1x128xi32, #tpu.memory_space<hbm>>
          tpu.enqueue_dma source(%dma_start3A_66 : memref<1x128xi32, #tpu.memory_space<hbm>>) target(%arg8 : memref<1x128xi32, #tpu.memory_space<vmem>>) target_semaphore(%run_scoped3A : memref<!tpu.dma_semaphore, #tpu.memory_space<semaphore_mem>>)
          %dma_wait3A_67 = arith.constant 0 : i32
          %dma_wait3A_68 = arith.constant 0 : i32
          %dma_wait3A_69 = tpu.memref_slice %arg3[%add3A_51, %dma_wait3A_67, %dma_wait3A_68] : memref<2528x1x128xi32, #tpu.memory_space<hbm>> -> memref<1x1x128xi32, #tpu.memory_space<hbm>>
          %dma_wait3A_70 = tpu.memref_squeeze %dma_wait3A_69 : memref<1x1x128xi32, #tpu.memory_space<hbm>> -> memref<1x128xi32, #tpu.memory_space<hbm>>
          %dma_wait3A_71 = arith.constant 0 : i32
          %dma_wait3A_72 = arith.constant 0 : i32
          %dma_wait3A_73 = tpu.memref_slice %arg3[%add3A_51, %dma_wait3A_71, %dma_wait3A_72] : memref<2528x1x128xi32, #tpu.memory_space<hbm>> -> memref<1x1x128xi32, #tpu.memory_space<hbm>>
          %dma_wait3A_74 = tpu.memref_squeeze %dma_wait3A_73 : memref<1x1x128xi32, #tpu.memory_space<hbm>> -> memref<1x128xi32, #tpu.memory_space<hbm>>
          tpu.wait_dma2 semaphore(%run_scoped3A : memref<!tpu.dma_semaphore, #tpu.memory_space<semaphore_mem>>) src(%dma_wait3A_74 : memref<1x128xi32, #tpu.memory_space<hbm>>) dst(%arg8 : memref<1x128xi32, #tpu.memory_space<vmem>>)
          tpu.yield
        }) : () -> ()
        %dma_start3A_52 = arith.constant 0 : i32
        %dma_start3A_53 = arith.constant 0 : i32
        %dma_start3A_54 = tpu.memref_slice %arg8[%dma_start3A_52, %dma_start3A_53] : memref<1x128xi32, #tpu.memory_space<vmem>> -> memref<1x128xi32, #tpu.memory_space<vmem>>
        %dma_start3A_55 = tpu.memref_squeeze %dma_start3A_54 : memref<1x128xi32, #tpu.memory_space<vmem>> -> memref<128xi32, #tpu.memory_space<vmem>>
        %dma_start3A_56 = arith.constant 0 : i32
        %dma_start3A_57 = arith.constant 0 : i32
        %dma_start3A_58 = tpu.memref_slice %arg2[%dma_start3A_56, %dma_start3A_57] : memref<10000x128xf32, #tpu.memory_space<hbm>> -> memref<10000x128xf32, #tpu.memory_space<hbm>>
        tpu.enqueue_indirect_dma source(%dma_start3A_58 : memref<10000x128xf32, #tpu.memory_space<hbm>>) target(%arg11 : memref<128x128xf32, #tpu.memory_space<vmem>>) offsets(%dma_start3A_55 : memref<128xi32, #tpu.memory_space<vmem>>) semaphore(%arg13 : memref<!tpu.dma_semaphore, #tpu.memory_space<semaphore_mem>>)
      } else {
      }
      %dma_wait3A = arith.constant 0 : i32
      %dma_wait3A_30 = arith.constant 0 : i32
      %dma_wait3A_31 = tpu.memref_slice %arg2[%dma_wait3A, %dma_wait3A_30] : memref<10000x128xf32, #tpu.memory_space<hbm>> -> memref<128x128xf32, #tpu.memory_space<hbm>>
      %dma_wait3A_32 = arith.constant 0 : i32
      %dma_wait3A_33 = arith.constant 0 : i32
      %dma_wait3A_34 = tpu.memref_slice %arg2[%dma_wait3A_32, %dma_wait3A_33] : memref<10000x128xf32, #tpu.memory_space<hbm>> -> memref<128x128xf32, #tpu.memory_space<hbm>>
      tpu.wait_dma2 semaphore(%arg13 : memref<!tpu.dma_semaphore, #tpu.memory_space<semaphore_mem>>) src(%dma_wait3A_34 : memref<128x128xf32, #tpu.memory_space<hbm>>) dst(%arg10 : memref<128x128xf32, #tpu.memory_space<vmem>>)
      "tpu.region"() ({
        %run_scoped3A = tpu.sem_alloc : memref<!tpu.dma_semaphore, #tpu.memory_space<semaphore_mem>>
        %dma_start3A_49 = arith.constant 0 : i32
        %dma_start3A_50 = tpu.memref_slice %arg9[%mul3A_25, %dma_start3A_49] : memref<79x128xi32, #tpu.memory_space<vmem>> -> memref<1x128xi32, #tpu.memory_space<vmem>>
        %dma_start3A_51 = tpu.memref_squeeze %dma_start3A_50 : memref<1x128xi32, #tpu.memory_space<vmem>> -> memref<128xi32, #tpu.memory_space<vmem>>
        %dma_start3A_52 = arith.constant 0 : i32
        %dma_start3A_53 = arith.constant 0 : i32
        %dma_start3A_54 = tpu.memref_slice %arg12[%dma_start3A_52, %dma_start3A_53] : memref<10240x128xf32, #tpu.memory_space<vmem_shared>> -> memref<10240x128xf32, #tpu.memory_space<vmem_shared>>
        tpu.enqueue_indirect_dma source(%arg10 : memref<128x128xf32, #tpu.memory_space<vmem>>) target(%dma_start3A_54 : memref<10240x128xf32, #tpu.memory_space<vmem_shared>>) offsets(%dma_start3A_51 : memref<128xi32, #tpu.memory_space<vmem>>) semaphore(%run_scoped3A : memref<!tpu.dma_semaphore, #tpu.memory_space<semaphore_mem>>) {add = true}
        %dma_wait3A_55 = arith.constant 0 : i32
        %dma_wait3A_56 = tpu.memref_slice %arg9[%mul3A_25, %dma_wait3A_55] : memref<79x128xi32, #tpu.memory_space<vmem>> -> memref<1x128xi32, #tpu.memory_space<vmem>>
        %dma_wait3A_57 = tpu.memref_squeeze %dma_wait3A_56 : memref<1x128xi32, #tpu.memory_space<vmem>> -> memref<128xi32, #tpu.memory_space<vmem>>
        %dma_wait3A_58 = arith.constant 0 : i32
        %dma_wait3A_59 = arith.constant 0 : i32
        %dma_wait3A_60 = tpu.memref_slice %arg12[%dma_wait3A_58, %dma_wait3A_59] : memref<10240x128xf32, #tpu.memory_space<vmem_shared>> -> memref<10240x128xf32, #tpu.memory_space<vmem_shared>>
        tpu.wait_indirect_dma semaphore(%run_scoped3A : memref<!tpu.dma_semaphore, #tpu.memory_space<semaphore_mem>>) src(%arg10 : memref<128x128xf32, #tpu.memory_space<vmem>>) dst(%dma_wait3A_60 : memref<10240x128xf32, #tpu.memory_space<vmem_shared>>)
        tpu.yield
      }) : () -> ()
      %add3A_35 = arith.constant 2 : i32
      %add3A_36 = arith.addi %mul3A_25, %add3A_35 : i32
      %lt3A_37 = arith.constant 79 : i32
      %lt3A_38 = arith.cmpi slt, %add3A_36, %lt3A_37 : i32
      %convert_element_type3A_39 = arith.extui %lt3A_38 : i1 to i32
      %cond3A_40 = arith.constant 0 : i32
      %cond3A_41 = arith.cmpi ne, %convert_element_type3A_39, %cond3A_40 : i32
      scf.if %cond3A_41 {
        %add3A_49 = arith.addi %mul3A_9, %mul3A_25 : i32
        %add3A_50 = arith.constant 2 : i32
        %add3A_51 = arith.addi %add3A_49, %add3A_50 : i32
        "tpu.region"() ({
          %run_scoped3A = tpu.sem_alloc : memref<!tpu.dma_semaphore, #tpu.memory_space<semaphore_mem>>
          %dma_start3A_59 = arith.constant 0 : i32
          %dma_start3A_60 = arith.constant 0 : i32
          %dma_start3A_61 = tpu.memref_slice %arg3[%add3A_51, %dma_start3A_59, %dma_start3A_60] : memref<2528x1x128xi32, #tpu.memory_space<hbm>> -> memref<1x1x128xi32, #tpu.memory_space<hbm>>
          %dma_start3A_62 = tpu.memref_squeeze %dma_start3A_61 : memref<1x1x128xi32, #tpu.memory_space<hbm>> -> memref<1x128xi32, #tpu.memory_space<hbm>>
          %dma_start3A_63 = arith.constant 0 : i32
          %dma_start3A_64 = arith.constant 0 : i32
          %dma_start3A_65 = tpu.memref_slice %arg3[%add3A_51, %dma_start3A_63, %dma_start3A_64] : memref<2528x1x128xi32, #tpu.memory_space<hbm>> -> memref<1x1x128xi32, #tpu.memory_space<hbm>>
          %dma_start3A_66 = tpu.memref_squeeze %dma_start3A_65 : memref<1x1x128xi32, #tpu.memory_space<hbm>> -> memref<1x128xi32, #tpu.memory_space<hbm>>
          tpu.enqueue_dma source(%dma_start3A_66 : memref<1x128xi32, #tpu.memory_space<hbm>>) target(%arg7 : memref<1x128xi32, #tpu.memory_space<vmem>>) target_semaphore(%run_scoped3A : memref<!tpu.dma_semaphore, #tpu.memory_space<semaphore_mem>>)
          %dma_wait3A_67 = arith.constant 0 : i32
          %dma_wait3A_68 = arith.constant 0 : i32
          %dma_wait3A_69 = tpu.memref_slice %arg3[%add3A_51, %dma_wait3A_67, %dma_wait3A_68] : memref<2528x1x128xi32, #tpu.memory_space<hbm>> -> memref<1x1x128xi32, #tpu.memory_space<hbm>>
          %dma_wait3A_70 = tpu.memref_squeeze %dma_wait3A_69 : memref<1x1x128xi32, #tpu.memory_space<hbm>> -> memref<1x128xi32, #tpu.memory_space<hbm>>
          %dma_wait3A_71 = arith.constant 0 : i32
          %dma_wait3A_72 = arith.constant 0 : i32
          %dma_wait3A_73 = tpu.memref_slice %arg3[%add3A_51, %dma_wait3A_71, %dma_wait3A_72] : memref<2528x1x128xi32, #tpu.memory_space<hbm>> -> memref<1x1x128xi32, #tpu.memory_space<hbm>>
          %dma_wait3A_74 = tpu.memref_squeeze %dma_wait3A_73 : memref<1x1x128xi32, #tpu.memory_space<hbm>> -> memref<1x128xi32, #tpu.memory_space<hbm>>
          tpu.wait_dma2 semaphore(%run_scoped3A : memref<!tpu.dma_semaphore, #tpu.memory_space<semaphore_mem>>) src(%dma_wait3A_74 : memref<1x128xi32, #tpu.memory_space<hbm>>) dst(%arg7 : memref<1x128xi32, #tpu.memory_space<vmem>>)
          tpu.yield
        }) : () -> ()
        %dma_start3A_52 = arith.constant 0 : i32
        %dma_start3A_53 = arith.constant 0 : i32
        %dma_start3A_54 = tpu.memref_slice %arg7[%dma_start3A_52, %dma_start3A_53] : memref<1x128xi32, #tpu.memory_space<vmem>> -> memref<1x128xi32, #tpu.memory_space<vmem>>
        %dma_start3A_55 = tpu.memref_squeeze %dma_start3A_54 : memref<1x128xi32, #tpu.memory_space<vmem>> -> memref<128xi32, #tpu.memory_space<vmem>>
        %dma_start3A_56 = arith.constant 0 : i32
        %dma_start3A_57 = arith.constant 0 : i32
        %dma_start3A_58 = tpu.memref_slice %arg2[%dma_start3A_56, %dma_start3A_57] : memref<10000x128xf32, #tpu.memory_space<hbm>> -> memref<10000x128xf32, #tpu.memory_space<hbm>>
        tpu.enqueue_indirect_dma source(%dma_start3A_58 : memref<10000x128xf32, #tpu.memory_space<hbm>>) target(%arg10 : memref<128x128xf32, #tpu.memory_space<vmem>>) offsets(%dma_start3A_55 : memref<128xi32, #tpu.memory_space<vmem>>) semaphore(%arg13 : memref<!tpu.dma_semaphore, #tpu.memory_space<semaphore_mem>>)
      } else {
      }
      %add3A_42 = arith.constant 1 : i32
      %add3A_43 = arith.addi %mul3A_25, %add3A_42 : i32
      %lt3A_44 = arith.constant 79 : i32
      %lt3A_45 = arith.cmpi slt, %add3A_43, %lt3A_44 : i32
      %convert_element_type3A_46 = arith.extui %lt3A_45 : i1 to i32
      %cond3A_47 = arith.constant 0 : i32
      %cond3A_48 = arith.cmpi ne, %convert_element_type3A_46, %cond3A_47 : i32
      scf.if %cond3A_48 {
        %dma_wait3A_49 = arith.constant 0 : i32
        %dma_wait3A_50 = arith.constant 0 : i32
        %dma_wait3A_51 = tpu.memref_slice %arg2[%dma_wait3A_49, %dma_wait3A_50] : memref<10000x128xf32, #tpu.memory_space<hbm>> -> memref<128x128xf32, #tpu.memory_space<hbm>>
        %dma_wait3A_52 = arith.constant 0 : i32
        %dma_wait3A_53 = arith.constant 0 : i32
        %dma_wait3A_54 = tpu.memref_slice %arg2[%dma_wait3A_52, %dma_wait3A_53] : memref<10000x128xf32, #tpu.memory_space<hbm>> -> memref<128x128xf32, #tpu.memory_space<hbm>>
        tpu.wait_dma2 semaphore(%arg13 : memref<!tpu.dma_semaphore, #tpu.memory_space<semaphore_mem>>) src(%dma_wait3A_54 : memref<128x128xf32, #tpu.memory_space<hbm>>) dst(%arg11 : memref<128x128xf32, #tpu.memory_space<vmem>>)
        %add3A_55 = arith.constant 1 : i32
        %add3A_56 = arith.addi %mul3A_25, %add3A_55 : i32
        "tpu.region"() ({
          %run_scoped3A = tpu.sem_alloc : memref<!tpu.dma_semaphore, #tpu.memory_space<semaphore_mem>>
          %dma_start3A_57 = arith.constant 0 : i32
          %dma_start3A_58 = tpu.memref_slice %arg9[%add3A_56, %dma_start3A_57] : memref<79x128xi32, #tpu.memory_space<vmem>> -> memref<1x128xi32, #tpu.memory_space<vmem>>
          %dma_start3A_59 = tpu.memref_squeeze %dma_start3A_58 : memref<1x128xi32, #tpu.memory_space<vmem>> -> memref<128xi32, #tpu.memory_space<vmem>>
          %dma_start3A_60 = arith.constant 0 : i32
          %dma_start3A_61 = arith.constant 0 : i32
          %dma_start3A_62 = tpu.memref_slice %arg12[%dma_start3A_60, %dma_start3A_61] : memref<10240x128xf32, #tpu.memory_space<vmem_shared>> -> memref<10240x128xf32, #tpu.memory_space<vmem_shared>>
          tpu.enqueue_indirect_dma source(%arg11 : memref<128x128xf32, #tpu.memory_space<vmem>>) target(%dma_start3A_62 : memref<10240x128xf32, #tpu.memory_space<vmem_shared>>) offsets(%dma_start3A_59 : memref<128xi32, #tpu.memory_space<vmem>>) semaphore(%run_scoped3A : memref<!tpu.dma_semaphore, #tpu.memory_space<semaphore_mem>>) {add = true}
          %dma_wait3A_63 = arith.constant 0 : i32
          %dma_wait3A_64 = tpu.memref_slice %arg9[%add3A_56, %dma_wait3A_63] : memref<79x128xi32, #tpu.memory_space<vmem>> -> memref<1x128xi32, #tpu.memory_space<vmem>>
          %dma_wait3A_65 = tpu.memref_squeeze %dma_wait3A_64 : memref<1x128xi32, #tpu.memory_space<vmem>> -> memref<128xi32, #tpu.memory_space<vmem>>
          %dma_wait3A_66 = arith.constant 0 : i32
          %dma_wait3A_67 = arith.constant 0 : i32
          %dma_wait3A_68 = tpu.memref_slice %arg12[%dma_wait3A_66, %dma_wait3A_67] : memref<10240x128xf32, #tpu.memory_space<vmem_shared>> -> memref<10240x128xf32, #tpu.memory_space<vmem_shared>>
          tpu.wait_indirect_dma semaphore(%run_scoped3A : memref<!tpu.dma_semaphore, #tpu.memory_space<semaphore_mem>>) src(%arg11 : memref<128x128xf32, #tpu.memory_space<vmem>>) dst(%dma_wait3A_68 : memref<10240x128xf32, #tpu.memory_space<vmem_shared>>)
          tpu.yield
        }) : () -> ()
      } else {
      }
    }
    %scan3A_21 = arith.constant 40 : i32
    %barrier3A_22 = arith.constant 0 : index
    tpu.barrier barrier_id(%barrier3A_22)
    "tpu.region"() ({
      %run_scoped3A = tpu.sem_alloc : memref<!tpu.dma_semaphore, #tpu.memory_space<semaphore_mem>>
      %dma_start3A_23 = arith.constant 0 : i32
      %dma_start3A_24 = tpu.memref_slice %arg6[%arg0, %mul3A_2, %dma_start3A_23] : memref<2x10240x128xf32, #tpu.memory_space<hbm>> -> memref<1x640x128xf32, #tpu.memory_space<hbm>>
      %dma_start3A_25 = tpu.memref_squeeze %dma_start3A_24 : memref<1x640x128xf32, #tpu.memory_space<hbm>> -> memref<640x128xf32, #tpu.memory_space<hbm>>
      %dma_start3A_26 = arith.constant 0 : i32
      %dma_start3A_27 = tpu.memref_slice %arg12[%mul3A_2, %dma_start3A_26] : memref<10240x128xf32, #tpu.memory_space<vmem_shared>> -> memref<640x128xf32, #tpu.memory_space<vmem_shared>>
      tpu.enqueue_dma source(%dma_start3A_27 : memref<640x128xf32, #tpu.memory_space<vmem_shared>>) target(%dma_start3A_25 : memref<640x128xf32, #tpu.memory_space<hbm>>) target_semaphore(%run_scoped3A : memref<!tpu.dma_semaphore, #tpu.memory_space<semaphore_mem>>)
      %dma_wait3A = arith.constant 0 : i32
      %dma_wait3A_28 = tpu.memref_slice %arg6[%arg0, %mul3A_2, %dma_wait3A] : memref<2x10240x128xf32, #tpu.memory_space<hbm>> -> memref<1x640x128xf32, #tpu.memory_space<hbm>>
      %dma_wait3A_29 = tpu.memref_squeeze %dma_wait3A_28 : memref<1x640x128xf32, #tpu.memory_space<hbm>> -> memref<640x128xf32, #tpu.memory_space<hbm>>
      %dma_wait3A_30 = arith.constant 0 : i32
      %dma_wait3A_31 = tpu.memref_slice %arg12[%mul3A_2, %dma_wait3A_30] : memref<10240x128xf32, #tpu.memory_space<vmem_shared>> -> memref<640x128xf32, #tpu.memory_space<vmem_shared>>
      tpu.wait_dma2 semaphore(%run_scoped3A : memref<!tpu.dma_semaphore, #tpu.memory_space<semaphore_mem>>) src(%dma_wait3A_31 : memref<640x128xf32, #tpu.memory_space<vmem_shared>>) dst(%dma_wait3A_29 : memref<640x128xf32, #tpu.memory_space<hbm>>)
      tpu.yield
    }) : () -> ()
    return
  }
}

module attributes {stable_mosaic.version = 14 : i64} {
  func.func @_tc_pre_body(%arg0: i32, %arg1: memref<1000x128xf32, #tpu.memory_space<vmem>>, %arg2: memref<1000x1xf32, #tpu.memory_space<vmem>>, %arg3: memref<1000x128xf32, #tpu.memory_space<vmem>>, %arg4: memref<1000x128xf32, #tpu.memory_space<vmem>>, %arg5: memref<1x128xf32, #tpu.memory_space<vmem>>, %arg6: memref<128x128xf32, #tpu.memory_space<vmem>>, %arg7: memref<1000x128xf32, #tpu.memory_space<vmem>>) attributes {dimension_semantics = [#tpu.dimension_semantics<arbitrary>], iteration_bounds = array<i64: 10>, scalar_prefetch = 0 : i64, scratch_operands = 0 : i64, tpu.core_type = #tpu.core_type<tc>, window_params = [{transform_indices = @transform_0, window_bounds = array<i64: 1000, 128>}, {transform_indices = @transform_1, window_bounds = array<i64: 1000, 1>}, {transform_indices = @transform_2, window_bounds = array<i64: 1000, 128>}, {transform_indices = @transform_3, window_bounds = array<i64: 1000, 128>}, {pipeline_mode = #tpu.pipeline_mode<synchronous>, transform_indices = @transform_4, window_bounds = array<i64: 1, 128>}, {pipeline_mode = #tpu.pipeline_mode<synchronous>, transform_indices = @transform_5, window_bounds = array<i64: 128, 128>}, {transform_indices = @transform_6, window_bounds = array<i64: 1000, 128>}]} {
    %get3A = arith.constant 0 : index
    %get3A_0 = arith.constant 0 : index
    %get3A_1 = vector.load %arg3[%get3A, %get3A_0] : memref<1000x128xf32, #tpu.memory_space<vmem>>, vector<1000x128xf32>
    %slice3A = vector.extract_strided_slice %get3A_1 {offsets = [0, 0], sizes = [1000, 1], strides = [1, 1]} : vector<1000x128xf32> to vector<1000x1xf32>
    %get3A_2 = arith.constant 0 : index
    %get3A_3 = arith.constant 0 : index
    %get3A_4 = vector.load %arg2[%get3A_2, %get3A_3] : memref<1000x1xf32, #tpu.memory_space<vmem>>, vector<1000x1xf32>
    %sub3A = arith.subf %slice3A, %get3A_4 : vector<1000x1xf32>
    %get3A_5 = arith.constant 0 : index
    %get3A_6 = arith.constant 0 : index
    %get3A_7 = vector.load %arg5[%get3A_5, %get3A_6] : memref<1x128xf32, #tpu.memory_space<vmem>>, vector<1x128xf32>
    %mul3A = vector.broadcast %sub3A : vector<1000x1xf32> to vector<1000x128xf32>
    %mul3A_8 = vector.broadcast %get3A_7 : vector<1x128xf32> to vector<1000x128xf32>
    %mul3A_9 = arith.mulf %mul3A, %mul3A_8 : vector<1000x128xf32>
    %sin3A = math.sin %mul3A_9 : vector<1000x128xf32>
    %get3A_10 = arith.constant 0 : index
    %get3A_11 = arith.constant 0 : index
    %get3A_12 = vector.load %arg1[%get3A_10, %get3A_11] : memref<1000x128xf32, #tpu.memory_space<vmem>>, vector<1000x128xf32>
    %get3A_13 = arith.constant 0 : index
    %get3A_14 = arith.constant 0 : index
    %get3A_15 = vector.load %arg4[%get3A_13, %get3A_14] : memref<1000x128xf32, #tpu.memory_space<vmem>>, vector<1000x128xf32>
    %add3A = arith.addf %get3A_12, %get3A_15 : vector<1000x128xf32>
    %get3A_16 = arith.constant 0 : index
    %get3A_17 = arith.constant 0 : index
    %get3A_18 = vector.load %arg6[%get3A_16, %get3A_17] : memref<128x128xf32, #tpu.memory_space<vmem>>, vector<128x128xf32>
    %dot_general3A = arith.constant dense<0.000000e+00> : vector<1000x128xf32>
    %dot_general3A_19 = tpu.matmul %sin3A, %get3A_18, %dot_general3A {dimension_numbers = #tpu.dot_dimension_numbers<[1], [0], [0], [1], [0, 0, 1, 1], [], []>, transpose_lhs_hint = false} : vector<1000x128xf32>, vector<128x128xf32>, vector<1000x128xf32> -> vector<1000x128xf32>
    %add3A_20 = arith.addf %add3A, %dot_general3A_19 : vector<1000x128xf32>
    %swap3A = arith.constant 0 : index
    %swap3A_21 = arith.constant 0 : index
    %swap3A_22 = vector.load %arg7[%swap3A, %swap3A_21] : memref<1000x128xf32, #tpu.memory_space<vmem>>, vector<1000x128xf32>
    tpu.vector_store %arg7[%swap3A, %swap3A_21], %add3A_20 {strides = array<i32>} : memref<1000x128xf32, #tpu.memory_space<vmem>>, vector<1000x128xf32>,
    return
  }
  func.func @transform_0(%arg0: i32) -> (i32, i32) {
    %c0_i32 = arith.constant 0 : i32
    %c0_i32_0 = arith.constant 0 : i32
    return %arg0, %c0_i32 : i32, i32
  }
  func.func @transform_1(%arg0: i32) -> (i32, i32) {
    %c0_i32 = arith.constant 0 : i32
    %c0_i32_0 = arith.constant 0 : i32
    return %arg0, %c0_i32 : i32, i32
  }
  func.func @transform_2(%arg0: i32) -> (i32, i32) {
    %c0_i32 = arith.constant 0 : i32
    %c0_i32_0 = arith.constant 0 : i32
    return %arg0, %c0_i32 : i32, i32
  }
  func.func @transform_3(%arg0: i32) -> (i32, i32) {
    %c0_i32 = arith.constant 0 : i32
    %c0_i32_0 = arith.constant 0 : i32
    return %arg0, %c0_i32 : i32, i32
  }
  func.func @transform_4(%arg0: i32) -> (i32, i32) {
    %c0_i32 = arith.constant 0 : i32
    %c0_i32_0 = arith.constant 0 : i32
    %c0_i32_1 = arith.constant 0 : i32
    return %c0_i32, %c0_i32_0 : i32, i32
  }
  func.func @transform_5(%arg0: i32) -> (i32, i32) {
    %c0_i32 = arith.constant 0 : i32
    %c0_i32_0 = arith.constant 0 : i32
    %c0_i32_1 = arith.constant 0 : i32
    return %c0_i32, %c0_i32_0 : i32, i32
  }
  func.func @transform_6(%arg0: i32) -> (i32, i32) {
    %c0_i32 = arith.constant 0 : i32
    %c0_i32_0 = arith.constant 0 : i32
    return %arg0, %c0_i32 : i32, i32
  }
}

module attributes {stable_mosaic.version = 14 : i64} {
  func.func @_tc_layer_body(%arg0: i32, %arg1: memref<1000x128xf32, #tpu.memory_space<vmem>>, %arg2: memref<1000x128xf32, #tpu.memory_space<vmem>>, %arg3: memref<1000x128xf32, #tpu.memory_space<vmem>>, %arg4: memref<1000x128xf32, #tpu.memory_space<vmem>>, %arg5: memref<1000x128xf32, #tpu.memory_space<vmem>>, %arg6: memref<128x128xf32, #tpu.memory_space<vmem>>, %arg7: memref<128x128xf32, #tpu.memory_space<vmem>>, %arg8: memref<1x128xf32, #tpu.memory_space<vmem>>, %arg9: memref<1000x128xf32, #tpu.memory_space<vmem>>) attributes {dimension_semantics = [#tpu.dimension_semantics<arbitrary>], iteration_bounds = array<i64: 10>, scalar_prefetch = 0 : i64, scratch_operands = 0 : i64, tpu.core_type = #tpu.core_type<tc>, window_params = [{transform_indices = @transform_0, window_bounds = array<i64: 1000, 128>}, {transform_indices = @transform_1, window_bounds = array<i64: 1000, 128>}, {transform_indices = @transform_2, window_bounds = array<i64: 1000, 128>}, {transform_indices = @transform_3, window_bounds = array<i64: 1000, 128>}, {transform_indices = @transform_4, window_bounds = array<i64: 1000, 128>}, {pipeline_mode = #tpu.pipeline_mode<synchronous>, transform_indices = @transform_5, window_bounds = array<i64: 128, 128>}, {pipeline_mode = #tpu.pipeline_mode<synchronous>, transform_indices = @transform_6, window_bounds = array<i64: 128, 128>}, {pipeline_mode = #tpu.pipeline_mode<synchronous>, transform_indices = @transform_7, window_bounds = array<i64: 1, 128>}, {transform_indices = @transform_8, window_bounds = array<i64: 1000, 128>}]} {
    %get3A = arith.constant 0 : index
    %get3A_0 = arith.constant 0 : index
    %get3A_1 = vector.load %arg4[%get3A, %get3A_0] : memref<1000x128xf32, #tpu.memory_space<vmem>>, vector<1000x128xf32>
    %slice3A = vector.extract_strided_slice %get3A_1 {offsets = [0, 0], sizes = [1000, 1], strides = [1, 1]} : vector<1000x128xf32> to vector<1000x1xf32>
    %get3A_2 = arith.constant 0 : index
    %get3A_3 = arith.constant 0 : index
    %get3A_4 = vector.load %arg5[%get3A_2, %get3A_3] : memref<1000x128xf32, #tpu.memory_space<vmem>>, vector<1000x128xf32>
    %slice3A_5 = vector.extract_strided_slice %get3A_4 {offsets = [0, 0], sizes = [1000, 1], strides = [1, 1]} : vector<1000x128xf32> to vector<1000x1xf32>
    %add3A = arith.addf %slice3A, %slice3A_5 : vector<1000x1xf32>
    %get3A_6 = arith.constant 0 : index
    %get3A_7 = arith.constant 0 : index
    %get3A_8 = vector.load %arg2[%get3A_6, %get3A_7] : memref<1000x128xf32, #tpu.memory_space<vmem>>, vector<1000x128xf32>
    %get3A_9 = arith.constant 0 : index
    %get3A_10 = arith.constant 0 : index
    %get3A_11 = vector.load %arg3[%get3A_9, %get3A_10] : memref<1000x128xf32, #tpu.memory_space<vmem>>, vector<1000x128xf32>
    %add3A_12 = arith.addf %get3A_8, %get3A_11 : vector<1000x128xf32>
    %max3A = arith.constant 1.000000e+00 : f32
    %max3A_13 = vector.broadcast %max3A : f32 to vector<1000x1xf32>
    %max3A_14 = arith.maximumf %add3A, %max3A_13 : vector<1000x1xf32>
    %div3A = arith.constant 1.000000e+00 : f32
    %div3A_15 = vector.broadcast %div3A : f32 to vector<1000x1xf32>
    %div3A_16 = arith.divf %div3A_15, %max3A_14 : vector<1000x1xf32>
    %mul3A = vector.broadcast %div3A_16 : vector<1000x1xf32> to vector<1000x128xf32>
    %mul3A_17 = arith.mulf %add3A_12, %mul3A : vector<1000x128xf32>
    %get3A_18 = arith.constant 0 : index
    %get3A_19 = arith.constant 0 : index
    %get3A_20 = vector.load %arg1[%get3A_18, %get3A_19] : memref<1000x128xf32, #tpu.memory_space<vmem>>, vector<1000x128xf32>
    %get3A_21 = arith.constant 0 : index
    %get3A_22 = arith.constant 0 : index
    %get3A_23 = vector.load %arg6[%get3A_21, %get3A_22] : memref<128x128xf32, #tpu.memory_space<vmem>>, vector<128x128xf32>
    %dot_general3A = arith.constant dense<0.000000e+00> : vector<1000x128xf32>
    %dot_general3A_24 = tpu.matmul %get3A_20, %get3A_23, %dot_general3A {dimension_numbers = #tpu.dot_dimension_numbers<[1], [0], [0], [1], [0, 0, 1, 1], [], []>, transpose_lhs_hint = false} : vector<1000x128xf32>, vector<128x128xf32>, vector<1000x128xf32> -> vector<1000x128xf32>
    %get3A_25 = arith.constant 0 : index
    %get3A_26 = arith.constant 0 : index
    %get3A_27 = vector.load %arg7[%get3A_25, %get3A_26] : memref<128x128xf32, #tpu.memory_space<vmem>>, vector<128x128xf32>
    %dot_general3A_28 = arith.constant dense<0.000000e+00> : vector<1000x128xf32>
    %dot_general3A_29 = tpu.matmul %mul3A_17, %get3A_27, %dot_general3A_28 {dimension_numbers = #tpu.dot_dimension_numbers<[1], [0], [0], [1], [0, 0, 1, 1], [], []>, transpose_lhs_hint = false} : vector<1000x128xf32>, vector<128x128xf32>, vector<1000x128xf32> -> vector<1000x128xf32>
    %add3A_30 = arith.addf %dot_general3A_24, %dot_general3A_29 : vector<1000x128xf32>
    %get3A_31 = arith.constant 0 : index
    %get3A_32 = arith.constant 0 : index
    %get3A_33 = vector.load %arg8[%get3A_31, %get3A_32] : memref<1x128xf32, #tpu.memory_space<vmem>>, vector<1x128xf32>
    %add3A_34 = vector.broadcast %get3A_33 : vector<1x128xf32> to vector<1000x128xf32>
    %add3A_35 = arith.addf %add3A_30, %add3A_34 : vector<1000x128xf32>
    %max3A_36 = arith.constant 0.000000e+00 : f32
    %max3A_37 = vector.broadcast %max3A_36 : f32 to vector<1000x128xf32>
    %max3A_38 = arith.maximumf %add3A_35, %max3A_37 : vector<1000x128xf32>
    %swap3A = arith.constant 0 : index
    %swap3A_39 = arith.constant 0 : index
    %swap3A_40 = vector.load %arg9[%swap3A, %swap3A_39] : memref<1000x128xf32, #tpu.memory_space<vmem>>, vector<1000x128xf32>
    tpu.vector_store %arg9[%swap3A, %swap3A_39], %max3A_38 {strides = array<i32>} : memref<1000x128xf32, #tpu.memory_space<vmem>>, vector<1000x128xf32>,
    return
  }
  func.func @transform_0(%arg0: i32) -> (i32, i32) {
    %c0_i32 = arith.constant 0 : i32
    %c0_i32_0 = arith.constant 0 : i32
    return %arg0, %c0_i32 : i32, i32
  }
  func.func @transform_1(%arg0: i32) -> (i32, i32) {
    %c0_i32 = arith.constant 0 : i32
    %c0_i32_0 = arith.constant 0 : i32
    return %arg0, %c0_i32 : i32, i32
  }
  func.func @transform_2(%arg0: i32) -> (i32, i32) {
    %c0_i32 = arith.constant 0 : i32
    %c0_i32_0 = arith.constant 0 : i32
    return %arg0, %c0_i32 : i32, i32
  }
  func.func @transform_3(%arg0: i32) -> (i32, i32) {
    %c0_i32 = arith.constant 0 : i32
    %c0_i32_0 = arith.constant 0 : i32
    return %arg0, %c0_i32 : i32, i32
  }
  func.func @transform_4(%arg0: i32) -> (i32, i32) {
    %c0_i32 = arith.constant 0 : i32
    %c0_i32_0 = arith.constant 0 : i32
    return %arg0, %c0_i32 : i32, i32
  }
  func.func @transform_5(%arg0: i32) -> (i32, i32) {
    %c0_i32 = arith.constant 0 : i32
    %c0_i32_0 = arith.constant 0 : i32
    %c0_i32_1 = arith.constant 0 : i32
    return %c0_i32, %c0_i32_0 : i32, i32
  }
  func.func @transform_6(%arg0: i32) -> (i32, i32) {
    %c0_i32 = arith.constant 0 : i32
    %c0_i32_0 = arith.constant 0 : i32
    %c0_i32_1 = arith.constant 0 : i32
    return %c0_i32, %c0_i32_0 : i32, i32
  }
  func.func @transform_7(%arg0: i32) -> (i32, i32) {
    %c0_i32 = arith.constant 0 : i32
    %c0_i32_0 = arith.constant 0 : i32
    %c0_i32_1 = arith.constant 0 : i32
    return %c0_i32, %c0_i32_0 : i32, i32
  }
  func.func @transform_8(%arg0: i32) -> (i32, i32) {
    %c0_i32 = arith.constant 0 : i32
    %c0_i32_0 = arith.constant 0 : i32
    return %arg0, %c0_i32 : i32, i32
  }
}

module attributes {stable_mosaic.version = 14 : i64} {
  func.func @_tc_head_body(%arg0: i32, %arg1: memref<1024x128xf32, #tpu.memory_space<vmem>>, %arg2: memref<1024x128xf32, #tpu.memory_space<vmem>>, %arg3: memref<1024x128xf32, #tpu.memory_space<vmem>>, %arg4: memref<1024x128xf32, #tpu.memory_space<vmem>>, %arg5: memref<1024x128xf32, #tpu.memory_space<vmem>>, %arg6: memref<128x128xf32, #tpu.memory_space<vmem>>, %arg7: memref<128x128xf32, #tpu.memory_space<vmem>>, %arg8: memref<1x128xf32, #tpu.memory_space<vmem>>, %arg9: memref<128x128xf32, #tpu.memory_space<vmem>>, %arg10: memref<1x128xf32, #tpu.memory_space<vmem>>, %arg11: memref<1024x128xf32, #tpu.memory_space<vmem>>) attributes {dimension_semantics = [#tpu.dimension_semantics<arbitrary>], iteration_bounds = array<i64: 1>, scalar_prefetch = 0 : i64, scratch_operands = 0 : i64, tpu.core_type = #tpu.core_type<tc>, window_params = [{pipeline_mode = #tpu.pipeline_mode<synchronous>, transform_indices = @transform_0, window_bounds = array<i64: 1024, 128>}, {pipeline_mode = #tpu.pipeline_mode<synchronous>, transform_indices = @transform_1, window_bounds = array<i64: 1024, 128>}, {pipeline_mode = #tpu.pipeline_mode<synchronous>, transform_indices = @transform_2, window_bounds = array<i64: 1024, 128>}, {pipeline_mode = #tpu.pipeline_mode<synchronous>, transform_indices = @transform_3, window_bounds = array<i64: 1024, 128>}, {pipeline_mode = #tpu.pipeline_mode<synchronous>, transform_indices = @transform_4, window_bounds = array<i64: 1024, 128>}, {pipeline_mode = #tpu.pipeline_mode<synchronous>, transform_indices = @transform_5, window_bounds = array<i64: 128, 128>}, {pipeline_mode = #tpu.pipeline_mode<synchronous>, transform_indices = @transform_6, window_bounds = array<i64: 128, 128>}, {pipeline_mode = #tpu.pipeline_mode<synchronous>, transform_indices = @transform_7, window_bounds = array<i64: 1, 128>}, {pipeline_mode = #tpu.pipeline_mode<synchronous>, transform_indices = @transform_8, window_bounds = array<i64: 128, 128>}, {pipeline_mode = #tpu.pipeline_mode<synchronous>, transform_indices = @transform_9, window_bounds = array<i64: 1, 128>}, {pipeline_mode = #tpu.pipeline_mode<synchronous>, transform_indices = @transform_10, window_bounds = array<i64: 1024, 128>}]} {
    %get3A = arith.constant 0 : index
    %get3A_0 = arith.constant 0 : index
    %get3A_1 = vector.load %arg4[%get3A, %get3A_0] : memref<1024x128xf32, #tpu.memory_space<vmem>>, vector<1024x128xf32>
    %slice3A = vector.extract_strided_slice %get3A_1 {offsets = [0, 0], sizes = [1024, 1], strides = [1, 1]} : vector<1024x128xf32> to vector<1024x1xf32>
    %get3A_2 = arith.constant 0 : index
    %get3A_3 = arith.constant 0 : index
    %get3A_4 = vector.load %arg5[%get3A_2, %get3A_3] : memref<1024x128xf32, #tpu.memory_space<vmem>>, vector<1024x128xf32>
    %slice3A_5 = vector.extract_strided_slice %get3A_4 {offsets = [0, 0], sizes = [1024, 1], strides = [1, 1]} : vector<1024x128xf32> to vector<1024x1xf32>
    %add3A = arith.addf %slice3A, %slice3A_5 : vector<1024x1xf32>
    %get3A_6 = arith.constant 0 : index
    %get3A_7 = arith.constant 0 : index
    %get3A_8 = vector.load %arg2[%get3A_6, %get3A_7] : memref<1024x128xf32, #tpu.memory_space<vmem>>, vector<1024x128xf32>
    %get3A_9 = arith.constant 0 : index
    %get3A_10 = arith.constant 0 : index
    %get3A_11 = vector.load %arg3[%get3A_9, %get3A_10] : memref<1024x128xf32, #tpu.memory_space<vmem>>, vector<1024x128xf32>
    %add3A_12 = arith.addf %get3A_8, %get3A_11 : vector<1024x128xf32>
    %max3A = arith.constant 1.000000e+00 : f32
    %max3A_13 = vector.broadcast %max3A : f32 to vector<1024x1xf32>
    %max3A_14 = arith.maximumf %add3A, %max3A_13 : vector<1024x1xf32>
    %div3A = arith.constant 1.000000e+00 : f32
    %div3A_15 = vector.broadcast %div3A : f32 to vector<1024x1xf32>
    %div3A_16 = arith.divf %div3A_15, %max3A_14 : vector<1024x1xf32>
    %mul3A = vector.broadcast %div3A_16 : vector<1024x1xf32> to vector<1024x128xf32>
    %mul3A_17 = arith.mulf %add3A_12, %mul3A : vector<1024x128xf32>
    %get3A_18 = arith.constant 0 : index
    %get3A_19 = arith.constant 0 : index
    %get3A_20 = vector.load %arg1[%get3A_18, %get3A_19] : memref<1024x128xf32, #tpu.memory_space<vmem>>, vector<1024x128xf32>
    %get3A_21 = arith.constant 0 : index
    %get3A_22 = arith.constant 0 : index
    %get3A_23 = vector.load %arg6[%get3A_21, %get3A_22] : memref<128x128xf32, #tpu.memory_space<vmem>>, vector<128x128xf32>
    %dot_general3A = arith.constant dense<0.000000e+00> : vector<1024x128xf32>
    %dot_general3A_24 = tpu.matmul %get3A_20, %get3A_23, %dot_general3A {dimension_numbers = #tpu.dot_dimension_numbers<[1], [0], [0], [1], [0, 0, 1, 1], [], []>, transpose_lhs_hint = false} : vector<1024x128xf32>, vector<128x128xf32>, vector<1024x128xf32> -> vector<1024x128xf32>
    %get3A_25 = arith.constant 0 : index
    %get3A_26 = arith.constant 0 : index
    %get3A_27 = vector.load %arg7[%get3A_25, %get3A_26] : memref<128x128xf32, #tpu.memory_space<vmem>>, vector<128x128xf32>
    %dot_general3A_28 = arith.constant dense<0.000000e+00> : vector<1024x128xf32>
    %dot_general3A_29 = tpu.matmul %mul3A_17, %get3A_27, %dot_general3A_28 {dimension_numbers = #tpu.dot_dimension_numbers<[1], [0], [0], [1], [0, 0, 1, 1], [], []>, transpose_lhs_hint = false} : vector<1024x128xf32>, vector<128x128xf32>, vector<1024x128xf32> -> vector<1024x128xf32>
    %add3A_30 = arith.addf %dot_general3A_24, %dot_general3A_29 : vector<1024x128xf32>
    %get3A_31 = arith.constant 0 : index
    %get3A_32 = arith.constant 0 : index
    %get3A_33 = vector.load %arg8[%get3A_31, %get3A_32] : memref<1x128xf32, #tpu.memory_space<vmem>>, vector<1x128xf32>
    %add3A_34 = vector.broadcast %get3A_33 : vector<1x128xf32> to vector<1024x128xf32>
    %add3A_35 = arith.addf %add3A_30, %add3A_34 : vector<1024x128xf32>
    %get3A_36 = arith.constant 0 : index
    %get3A_37 = arith.constant 0 : index
    %get3A_38 = vector.load %arg9[%get3A_36, %get3A_37] : memref<128x128xf32, #tpu.memory_space<vmem>>, vector<128x128xf32>
    %dot_general3A_39 = arith.constant dense<0.000000e+00> : vector<1024x128xf32>
    %dot_general3A_40 = tpu.matmul %add3A_35, %get3A_38, %dot_general3A_39 {dimension_numbers = #tpu.dot_dimension_numbers<[1], [0], [0], [1], [0, 0, 1, 1], [], []>, transpose_lhs_hint = false} : vector<1024x128xf32>, vector<128x128xf32>, vector<1024x128xf32> -> vector<1024x128xf32>
    %get3A_41 = arith.constant 0 : index
    %get3A_42 = arith.constant 0 : index
    %get3A_43 = vector.load %arg10[%get3A_41, %get3A_42] : memref<1x128xf32, #tpu.memory_space<vmem>>, vector<1x128xf32>
    %add3A_44 = vector.broadcast %get3A_43 : vector<1x128xf32> to vector<1024x128xf32>
    %add3A_45 = arith.addf %dot_general3A_40, %add3A_44 : vector<1024x128xf32>
    %swap3A = arith.constant 0 : index
    %swap3A_46 = arith.constant 0 : index
    %swap3A_47 = vector.load %arg11[%swap3A, %swap3A_46] : memref<1024x128xf32, #tpu.memory_space<vmem>>, vector<1024x128xf32>
    tpu.vector_store %arg11[%swap3A, %swap3A_46], %add3A_45 {strides = array<i32>} : memref<1024x128xf32, #tpu.memory_space<vmem>>, vector<1024x128xf32>,
    return
  }
  func.func @transform_0(%arg0: i32) -> (i32, i32) {
    %c0_i32 = arith.constant 0 : i32
    %c0_i32_0 = arith.constant 0 : i32
    %c0_i32_1 = arith.constant 0 : i32
    return %c0_i32, %c0_i32_0 : i32, i32
  }
  func.func @transform_1(%arg0: i32) -> (i32, i32) {
    %c0_i32 = arith.constant 0 : i32
    %c0_i32_0 = arith.constant 0 : i32
    %c0_i32_1 = arith.constant 0 : i32
    return %c0_i32, %c0_i32_0 : i32, i32
  }
  func.func @transform_2(%arg0: i32) -> (i32, i32) {
    %c0_i32 = arith.constant 0 : i32
    %c0_i32_0 = arith.constant 0 : i32
    %c0_i32_1 = arith.constant 0 : i32
    return %c0_i32, %c0_i32_0 : i32, i32
  }
  func.func @transform_3(%arg0: i32) -> (i32, i32) {
    %c0_i32 = arith.constant 0 : i32
    %c0_i32_0 = arith.constant 0 : i32
    %c0_i32_1 = arith.constant 0 : i32
    return %c0_i32, %c0_i32_0 : i32, i32
  }
  func.func @transform_4(%arg0: i32) -> (i32, i32) {
    %c0_i32 = arith.constant 0 : i32
    %c0_i32_0 = arith.constant 0 : i32
    %c0_i32_1 = arith.constant 0 : i32
    return %c0_i32, %c0_i32_0 : i32, i32
  }
  func.func @transform_5(%arg0: i32) -> (i32, i32) {
    %c0_i32 = arith.constant 0 : i32
    %c0_i32_0 = arith.constant 0 : i32
    %c0_i32_1 = arith.constant 0 : i32
    return %c0_i32, %c0_i32_0 : i32, i32
  }
  func.func @transform_6(%arg0: i32) -> (i32, i32) {
    %c0_i32 = arith.constant 0 : i32
    %c0_i32_0 = arith.constant 0 : i32
    %c0_i32_1 = arith.constant 0 : i32
    return %c0_i32, %c0_i32_0 : i32, i32
  }
  func.func @transform_7(%arg0: i32) -> (i32, i32) {
    %c0_i32 = arith.constant 0 : i32
    %c0_i32_0 = arith.constant 0 : i32
    %c0_i32_1 = arith.constant 0 : i32
    return %c0_i32, %c0_i32_0 : i32, i32
  }
  func.func @transform_8(%arg0: i32) -> (i32, i32) {
    %c0_i32 = arith.constant 0 : i32
    %c0_i32_0 = arith.constant 0 : i32
    %c0_i32_1 = arith.constant 0 : i32
    return %c0_i32, %c0_i32_0 : i32, i32
  }
  func.func @transform_9(%arg0: i32) -> (i32, i32) {
    %c0_i32 = arith.constant 0 : i32
    %c0_i32_0 = arith.constant 0 : i32
    %c0_i32_1 = arith.constant 0 : i32
    return %c0_i32, %c0_i32_0 : i32, i32
  }
  func.func @transform_10(%arg0: i32) -> (i32, i32) {
    %c0_i32 = arith.constant 0 : i32
    %c0_i32_0 = arith.constant 0 : i32
    %c0_i32_1 = arith.constant 0 : i32
    return %c0_i32, %c0_i32_0 : i32, i32
  }
}

</mosaic_0001>

<sc_bundles>
// kernel: kernel.11.cloned.1.call-start
scs
__scs_entry_jumppad:
0x0: {  	(pc) =	sbr.rel $0x88, $3  }
0x1: {  	(tag) =	ssettag $0x0;
	lr =	simm.s32 $0x1  }
0x2: {  	[smem:$0x3F94] =	sst lr;
	_ =	strace $0xD0000000  }
0x3: {  	_ = 	snop  }
0x4: {  	_ = 	snop  }
0x5: {  	_ = 	snop  }
0x6: {  	_ = 	snop  }
0x7: {  	_ = 	snop  }
__scs_overlays_trampoline_lowered:
0x8: {  	[smem:$0x3FA3] =	sst s0  }
0x9: {  	[smem:$0x3FA4] =	sst s1  }
0xa: {  	[smem:$0x3FA5] =	sst s2  }
0xb: {  	[smem:$0x3FA6] =	sst s3  }
0xc: {  	[smem:$0x3FA7] =	sst s4  }
0xd: {  	[smem:$0x3FA8] =	sst s5  }
0xe: {  	[smem:$0x3FA9] =	sst s6  }
0xf: {  	[smem:$0x3FAA] =	sst s7  }
0x10: {  	[smem:$0x3FAB] =	sst s8  }
0x11: {  	[smem:$0x3FAC] =	sst s9;
	s0 =	simm.s32 @!p0 $0x0  }
0x12: {  	s1 =	sld [smem:$0x3F92];
	s0 =	simm.s32 @p0 $0x1  }
0x13: {  	[smem:$0x3FAD] =	sst s0;
	s0 =	simm.s32 @!p1 $0x0  }
0x14: {  	s2 =	sld [smem:$0x3F91];
	s0 =	simm.s32 @p1 $0x1  }
0x15: {  	[smem:$0x3FAE] =	sst s0;
	s0 =	simm.s32 @!p2 $0x0  }
0x16: {  	s3 =	sld [smem:$0x3FDB];
	s0 =	simm.s32 @p2 $0x1  }
0x17: {  	s4 =	simm.s32 $0x1BF5;
	[smem:$0x3FB0] =	sst s0  }
0x18: {  	s0 =	sld [smem:$0x3F93];
	_ =	swait.ge [sflag:s4], $0x0  }
0x19: {  	s7 =	sld [smem:$0x3F94]  }
0x1a: {  	s8 =	sadd.s32 $0xFFFFE003, lr  }
0x1b: {  	s9 =	sadd.s32 $0xFFFFFEF7, lr;
	s5 =	simm.s32 $0xFFFFFFFF;
	p2 =	slt.u32 s8, $0xFFFFF086  }
0x1c: {  	p1 =	slt.u32 s9, $0xF7A;
	s5 =	simm.s32 @!p2 $0x0  }
0x1d: {  	s5 =	simm.s32 @p1 $0x1;
	p0 =	seq.s32 s7, s2  }
0x1e: {  	s7 =	smul.u32 @!p0 $0xF7A, s2;
	p2 =	seq.s32 @!p0 s5, $0x0  }
0x1f: {  	s9 =	smul.u32 $0xF7A, s1;
	s8 =	simm.s32 @!p0 $0x1BF5;
	p2 =	por !p2, p0  }
0x20: {  	[sflag:s8] =	ssyncset.s32 @!p0 $0xFFFFF086;
	s6 =	sadd.s32 @!p0 s3, s7;
	s7 =	simm.s32 @!p0 $0x108  }
0x21: {  	s3 =	sadd.s32 s3, s9;
	s6 =	sadd.s32 @!p0 $0x88, s6;
	s7 =	simm.s32 @p2 $0x1082  }
0x22: {  	[simem:s7], [sflag:s8] =	dma.local @!p0 [hbm:s6], $0xF7A  }
0x23: {  	s9 =	sor.u32 $0xD0000000, s2;
	s6 =	simm.s32 $0x108;
	_ =	swait.ge @!p0 [sflag:s8], $0x0  }
0x24: {  	s3 =	sadd.s32 $0x88, s3;
	s6 =	simm.s32 @!p1 $0x1082;
	[sflag:s4] =	ssyncset.s32 $0xFFFFF086  }
0x25: {  	[simem:s6], [sflag:s4] =	dma.local [hbm:s3], $0xF7A  }
0x26: {  	[smem:$0x3F94] =	sst s1;
	(tag) =	ssettag s2;
	_ =	strace s9  }
0x27: {  	s1 =	sld [smem:$0x3FA4]  }
0x28: {  	s2 =	sld [smem:$0x3FA5]  }
0x29: {  	s4 =	sld [smem:$0x3FA7]  }
0x2a: {  	p0 =	seq.s32 s5, $0x0;
	s5 =	sld [smem:$0x3FA8]  }
0x2b: {  	s6 =	sld [smem:$0x3FA9]  }
0x2c: {  	s7 =	sld [smem:$0x3FAA]  }
0x2d: {  	s3 =	simm.s32 $0x108;
	s8 =	sld [smem:$0x3FAB]  }
0x2e: {  	s3 =	simm.s32 @!p0 $0x1082;
	s9 =	sld [smem:$0x3FAC]  }
0x2f: {  	lr =	sadd.s32 s0, s3;
	s0 =	sld [smem:$0x3FA3]  }
0x30: {  	s3 =	sld [smem:$0x3FA6]  }
0x31: {  	[smem:$0x3FAF] =	sst s10  }
0x32: {  	s10 =	sld [smem:$0x3FAD];
	_ =	sdelay $0x3  }
0x33: {  	p0 =	seq.s32 s10, $0x1;
	s10 =	sld [smem:$0x3FAF];
	_ =	sdelay $0x3  }
0x34: {  	[smem:$0x3FAF] =	sst s10  }
0x35: {  	s10 =	sld [smem:$0x3FAE];
	_ =	sdelay $0x3  }
0x36: {  	p1 =	seq.s32 s10, $0x1;
	s10 =	sld [smem:$0x3FAF];
	_ =	sdelay $0x3  }
0x37: {  	[smem:$0x3FAF] =	sst s10  }
0x38: {  	s10 =	sld [smem:$0x3FB0]  }
0x39: {  	_ = 	snop;
	(pc) =	sbr.ind lr, $3  }
0x3a: {  	_ = 	snop  }
0x3b: {  	_ = 	snop  }
0x3c: {  	p2 =	seq.s32 s10, $0x1;
	s10 =	sld [smem:$0x3FAF]  }
0x3d: {  	_ =	shalt  }
0x3e: {  	_ =	shalt  }
0x3f: {  	_ =	shalt  }
0x40: {  	_ =	shalt  }
0x41: {  	_ =	shalt  }
0x42: {  	_ =	shalt  }
0x43: {  	_ =	shalt  }
0x44: {  	_ =	shalt  }
0x45: {  	_ =	shalt  }
0x46: {  	_ =	shalt  }
0x47: {  	_ =	shalt  }
0x48: {  	_ =	shalt  }
0x49: {  	_ =	shalt  }
0x4a: {  	_ =	shalt  }
0x4b: {  	_ =	shalt  }
0x4c: {  	_ =	shalt  }
0x4d: {  	_ =	shalt  }
0x4e: {  	_ =	shalt  }
0x4f: {  	_ =	shalt  }
0x50: {  	_ =	shalt  }
0x51: {  	_ =	shalt  }
0x52: {  	_ =	shalt  }
0x53: {  	_ =	shalt  }
0x54: {  	_ =	shalt  }
0x55: {  	_ =	shalt  }
0x56: {  	_ =	shalt  }
0x57: {  	_ =	shalt  }
0x58: {  	_ =	shalt  }
0x59: {  	_ =	shalt  }
0x5a: {  	_ =	shalt  }
0x5b: {  	_ =	shalt  }
0x5c: {  	_ =	shalt  }
0x5d: {  	_ =	shalt  }
0x5e: {  	_ =	shalt  }
0x5f: {  	_ =	shalt  }
0x60: {  	_ =	shalt  }
0x61: {  	_ =	shalt  }
0x62: {  	_ =	shalt  }
0x63: {  	_ =	shalt  }
0x64: {  	_ =	shalt  }
0x65: {  	_ =	shalt  }
0x66: {  	_ =	shalt  }
0x67: {  	_ =	shalt  }
0x68: {  	_ =	shalt  }
0x69: {  	_ =	shalt  }
0x6a: {  	_ =	shalt  }
0x6b: {  	_ =	shalt  }
0x6c: {  	_ =	shalt  }
0x6d: {  	_ =	shalt  }
0x6e: {  	_ =	shalt  }
0x6f: {  	_ =	shalt  }
0x70: {  	_ =	shalt  }
0x71: {  	_ =	shalt  }
0x72: {  	_ =	shalt  }
0x73: {  	_ =	shalt  }
0x74: {  	_ =	shalt  }
0x75: {  	_ =	shalt  }
0x76: {  	_ =	shalt  }
0x77: {  	_ =	shalt  }
0x78: {  	_ =	shalt  }
0x79: {  	_ =	shalt  }
0x7a: {  	_ =	shalt  }
0x7b: {  	_ =	shalt  }
0x7c: {  	_ =	shalt  }
0x7d: {  	_ =	shalt  }
0x7e: {  	_ =	shalt  }
0x7f: {  	_ =	shalt  }
0x80: {  	_ =	shalt  }
0x81: {  	_ =	shalt  }
0x82: {  	_ =	shalt  }
0x83: {  	_ =	shalt  }
0x84: {  	_ =	shalt  }
0x85: {  	_ =	shalt  }
0x86: {  	_ =	shalt  }
0x87: {  	_ =	shalt  }
.Lfunc_end0:
.L_simem_size_0:
called_computation.1_lowered:
.L_overlay_start_0:
0x88: {  	s2 =	sld [smem:$0x3FD9]  }
0x89: {  	s3 =	sld [smem:$0x3FFE];
	_ =	sdelay $0x1  }
0x8a: {  	s1 =	srdreg.scid  }
0x8b: {  	s0 =	sand.u32 $0x1, s1  }
0x8c: {  	s16 =	sshll.u32 s0, $0xA;
	s2 =	sadd.s32 s3, s2  }
0x8d: {  	s2 =	sadd.s32 s2, s16  }
0x8e: {  	[smem:$0x3FBB] =	sst s2  }
0x8f: {  	_ = 	snop  }
0x90: {  	(tm) =	ssettm $0x1  }
0x91: {  	s17 =	sld [smem:$0x3FFB];
	_ =	sdelay $0x3  }
0x92: {  	_ =	strace s17  }
0x93: {  	s2 =	sld [smem:$0x3FFC];
	_ =	sdelay $0x3  }
0x94: {  	_ =	strace s2  }
0x95: {  	s2 =	sld [smem:$0x3FFD];
	_ =	sdelay $0x3  }
0x96: {  	_ =	strace s2  }
0x97: {  	_ =	strace $0x8FFFFFFF  }
0x98: {  	s18 =	sld [smem:$0x3FDB];
	_ =	sdelay $0x1  }
0x99: {  	s19 =	simm.s32 $_scs_section_size  }
0x9a: {  	s4 =	simm.s32 $_size__tile_overlayer_lowered;
	s5 =	simm.s32 $_tile_overlayer_lowered  }
0x9b: {  	s22 =	simm.s32 $0x1BFF;
	s21 =	sshll.u32 s5, $0x1;
	s2 =	sadd.s32 s19, s18  }
0x9c: {  	s6 =	simm.s32 $0x0;
	s20 =	sshll.u32 s4, $0x1;
	s4 =	sadd.s32 s21, s2  }
0x9d: {  	[timem:s6], [sflag:s22] =	dma.local [hbm:s4], s20  }
0x9e: {  	_ =	swait.ge [sflag:s22], s20  }
0x9f: {  	s3 =	ssub.s32 $0x0, s20;
	[sflag:s22] =	ssyncset.done $0x0  }
0xa0: {  	[sflag:s22] =	ssyncadd.s32 s3;
	_ =	sdelay $0x1  }
0xa1: {  	s23 =	simm.s32 $0x1B8B  }
0xa2: {  	_ =	swait.ge [sflag:s23], $0x1  }
0xa3: {  	[sflag:s23] =	ssyncset.done $0x0  }
0xa4: {  	s25 =	simm.s32 $0x1B8E;
	s24 =	sld [smem:$0x3FFE];
	[sflag:s23] =	ssyncadd.s32 $0xFFFFFFFF  }
0xa5: {  	s26 =	simm.s32 $execute0_lowered;
	[smem:$0x3FD2] =	sst s25  }
0xa6: {  	s4 =	sshll.u32 s26, $0x1;
	_ =	strace $0x80000049;
	[dreg:$0x1] =	wrdreg $0xFFFFFFFF  }
0xa7: {  	s28 =	simm.s32 $_size_execute0_lowered;
	s2 =	sadd.s32 s2, s4;
	[dreg:$0x0] =	wrdreg $0x0  }
0xa8: {  	s4 =	sshll.u32 s28, $0x1;
	[dreg:$0x2] =	wrdreg s2  }
0xa9: {  	[dreg:$0x3] =	wrdreg s4  }
0xaa: {  	[dreg:$0x4] =	wrdreg $0xC0  }
0xab: {  	_ =	task [dreg:s6], $0x5FFFF  }
0xac: {  	[dreg:$0x1] =	wrdreg $0xFFFFFFFF  }
0xad: {  	[dreg:$0x0] =	wrdreg $0x60  }
0xae: {  	[dreg:$0x2] =	wrdreg s24  }
0xaf: {  	[dreg:$0x3] =	wrdreg $0xA9000  }
0xb0: {  	[dreg:$0x4] =	wrdreg $0x9  }
0xb1: {  	_ =	task.clear_ibuf [dreg:s6], $0x5FFFF;
	_ =	strace $0x90000049  }
0xb2: {  	s29 =	simm.s32 $0x9;
	_ =	strace $0x8000004B  }
0xb3: {  	_ =	swait.ge [sflag:s29], $0x1  }
0xb4: {  	[sflag:s29] =	ssyncadd.s32 $0xFFFFFFFF  }
0xb5: {  	_ =	strace $0x9000004B  }
0xb6: {  	_ =	sfence  }
0xb7: {  	s30 =	sld [smem:$0x0];
	_ =	sdelay $0x2  }
0xb8: {  	s31 =	sshll.u32 s1, $0xD;
	s1 =	sshrl.u32 s1, $0x2  }
0xb9: {  	s3 =	sand.u32 $0x4000, s31;
	s1 =	sadd.s32 s1, s30  }
0xba: {  	s0 =	sor.u32 s3, s0;
	s1 =	sshll.u32 s1, $0x11  }
0xbb: {  	s0 =	sor.u32 s1, s0  }
0xbc: {  	s0 =	sadd.s32 $0x8F2B, s0  }
0xbd: {  	[sflag:s0] =	ssyncadd.remote.s32 $0x1  }
0xbe: {  	_ =	sfence.sel $0xFFFF  }
0xbf: {  	[dreg:$0x0] =	wrdreg $0xFFFFFFFF;
	(pc) =	sbr.abs _section_cstart, $3  }
0xc0: {  	[dreg:$0x1] =	wrdreg $0xFFFFFFFF  }
0xc1: {  	_ =	task.clear_ibuf [dreg:s6], $0x2FFFF;
	_ =	strace $0x9FFFFFFF  }
0xc2: {  	(tm) =	ssettm $0x7FFFFFFF  }
0xc3: {  	_ =	shalt  }
tec
execute0_lowered:
.L_overlay_start_1:
0x0: {  	(tag) =	ssettag $0x1  }
0x1: {  	s0 =	srdreg.scid;
	s6 =	rddreg [dreg:$0x0]  }
0x2: {  	s15 =	stileid.u32;
	s2 =	rddreg [dreg:$0x1]  }
0x3: {  	s3 =	simm.s32 $0x0;
	s28 =	simm.s32 $0x6900;
	s29 =	simm.s32 $0x1  }
0x4: {  	s31 =	simm.s32 $0x0;
	s0 =	sand.u32 $0x1, s0;
	s8 =	smul.u32 $0x14000, s15  }
0x5: {  	[smem:$0x7FF] =	sst s3;
	s4 =	sadd.s32 $0x13000, s6;
	s11 =	smul.u32 $0x50000, s15  }
0x6: {  	s10 =	sadd.s32 $0xBD800, s6;
	s25 =	smul.u32 $0x4F0, s15;
	s30 =	sshll.u32 s15, $0x6  }
0x7: {  	s1 =	sshll.u32 s0, $0x4;
	s7 =	smul.u32 $0x140000, s0;
	_ =	strace $0x8000004A  }
0x8: {  	s21 =	ssub.s32 $0x2, s0;
	s0 =	smul.u32 $0x4F00, s0;
	s1 =	sor.u32 s15, s1  }
0x9: {  	s22 =	sshrl.u32 s21, $0x1;
	s23 =	sshrl.u32 s11, $0x2;
	s5 =	smul.u32 $0x500, s1  }
0xa: {  	s7 =	sadd.s32 s8, s7;
	s1 =	smul.u32 $0x4F0, s1;
	s13 =	ssub.s32 s21, s22  }
0xb: {  	s14 =	sadd.s32 s23, s2;
	s0 =	sadd.s32 s0, s10;
	s7 =	sshrl.u32 s7, $0x3  }
0xc: {  	s24 =	sadd.s32 $0x2000, s14;
	s16 =	sadd.s32 $0x4000, s14;
	s17 =	sadd.s32 $0x6000, s14  }
0xd: {  	s18 =	sadd.s32 $0x8000, s14;
	s19 =	sadd.s32 $0xA000, s14;
	s26 =	sadd.s32 $0xC000, s14  }
0xe: {  	s21 =	sadd.s32 $0xE000, s14;
	s0 =	sadd.s32 s25, s0;
	s22 =	sadd.s32 $0x10000, s14  }
0xf: {  	s23 =	sadd.s32 $0x12000, s14;
	s14 =	sshrl.u32 s14, $0x3;
	s25 =	simm.s32 $0x2900  }
0x10: {  	s9 =	sadd.s32 s5, s6;
	s5 =	sadd.s32 $0x12C00, s6;
	s12 =	sadd.s32 s7, s6  }
0x11: {  	s7 =	sadd.s32 s10, s1;
	s0 =	sadd.s32 $0x10, s0;
	s15 =	sshrl.u32 s24, $0x3  }
0x12: {  	s16 =	sshrl.u32 s16, $0x3;
	s17 =	sshrl.u32 s17, $0x3;
	s18 =	sshrl.u32 s18, $0x3  }
0x13: {  	s19 =	sshrl.u32 s19, $0x3;
	s20 =	sshrl.u32 s26, $0x3;
	s21 =	sshrl.u32 s21, $0x3  }
0x14: {  	s22 =	sshrl.u32 s22, $0x3;
	s23 =	sshrl.u32 s23, $0x3;
	s24 =	simm.s32 $0x80  }
0x15: {  	s26 =	simm.s32 $0x3;
	s6 =	sadd.s32 $0xB3800, s9;
	s8 =	sadd.s32 $0xC7600, s12  }
0x16: {  	s9 =	smax.u32 s13, $0x1;
	s12 =	simm.s32 $0x2;
	s13 =	sor.u32 $0x1C02, s30  }
.LBB2_1:
0x17: {  	s1 =	simm.s32 $0x100  }
0x18: {  	[tilespmem:s1], [sflag:$0x2] =	stream.linear.gather [hbm4b:s6+s3], $0x2780, $0x38;
	[tilespmem:$0x1E900] =	vst v63  }
0x19: {  	_ =	swait.ge [sflag:s12], $0x2780  }
0x1a: {  	[sflag:s12] =	ssyncset.done $0x0  }
0x1b: {  	[sflag:s12] =	ssyncadd.s32 $0xFFFFD880  }
0x1c: {  	[spmem:s14], [sflag:s13] =	dma.local [hbm:s5], $0x400  }
0x1d: {  	_ =	swait.ge [sflag:s12], $0x400  }
0x1e: {  	[sflag:s12] =	ssyncset.done $0x0  }
0x1f: {  	[sflag:s12] =	ssyncadd.s32 $0xFFFFFC00  }
0x20: {  	[spmem:s15], [sflag:s13] =	dma.local [hbm:s5], $0x400  }
0x21: {  	_ =	swait.ge [sflag:s12], $0x400  }
0x22: {  	[sflag:s12] =	ssyncset.done $0x0  }
0x23: {  	[sflag:s12] =	ssyncadd.s32 $0xFFFFFC00  }
0x24: {  	[spmem:s16], [sflag:s13] =	dma.local [hbm:s5], $0x400  }
0x25: {  	_ =	swait.ge [sflag:s12], $0x400  }
0x26: {  	[sflag:s12] =	ssyncset.done $0x0  }
0x27: {  	[sflag:s12] =	ssyncadd.s32 $0xFFFFFC00  }
0x28: {  	[spmem:s17], [sflag:s13] =	dma.local [hbm:s5], $0x400  }
0x29: {  	_ =	swait.ge [sflag:s12], $0x400  }
0x2a: {  	[sflag:s12] =	ssyncset.done $0x0  }
0x2b: {  	[sflag:s12] =	ssyncadd.s32 $0xFFFFFC00  }
0x2c: {  	[spmem:s18], [sflag:s13] =	dma.local [hbm:s5], $0x400  }
0x2d: {  	_ =	swait.ge [sflag:s12], $0x400  }
0x2e: {  	[sflag:s12] =	ssyncset.done $0x0  }
0x2f: {  	[sflag:s12] =	ssyncadd.s32 $0xFFFFFC00  }
0x30: {  	[spmem:s19], [sflag:s13] =	dma.local [hbm:s5], $0x400  }
0x31: {  	_ =	swait.ge [sflag:s12], $0x400  }
0x32: {  	[sflag:s12] =	ssyncset.done $0x0  }
0x33: {  	[sflag:s12] =	ssyncadd.s32 $0xFFFFFC00  }
0x34: {  	[spmem:s20], [sflag:s13] =	dma.local [hbm:s5], $0x400  }
0x35: {  	_ =	swait.ge [sflag:s12], $0x400  }
0x36: {  	[sflag:s12] =	ssyncset.done $0x0  }
0x37: {  	[sflag:s12] =	ssyncadd.s32 $0xFFFFFC00  }
0x38: {  	[spmem:s21], [sflag:s13] =	dma.local [hbm:s5], $0x400  }
0x39: {  	_ =	swait.ge [sflag:s12], $0x400  }
0x3a: {  	[sflag:s12] =	ssyncset.done $0x0  }
0x3b: {  	[sflag:s12] =	ssyncadd.s32 $0xFFFFFC00  }
0x3c: {  	[spmem:s22], [sflag:s13] =	dma.local [hbm:s5], $0x400  }
0x3d: {  	_ =	swait.ge [sflag:s12], $0x400  }
0x3e: {  	[sflag:s12] =	ssyncset.done $0x0  }
0x3f: {  	[sflag:s12] =	ssyncadd.s32 $0xFFFFFC00  }
0x40: {  	[spmem:s23], [sflag:s13] =	dma.local [hbm:s5], $0x400  }
0x41: {  	_ =	swait.ge [sflag:s12], $0x400  }
0x42: {  	[sflag:s12] =	ssyncset.done $0x0  }
0x43: {  	[sflag:s12] =	ssyncadd.s32 $0xFFFFFC00  }
0x44: {  	[bflag:$0x0] =	sbarrier.arrive $0xFFFF  }
0x45: {  	[tilespmem:s3], [sflag:$0x2] =	stream.linear.gather [hbm4b:s7+s3], $0x80, $0x38;
	[tilespmem:$0x1E900] =	vst v63  }
0x46: {  	_ =	swait.ge [sflag:s12], $0x80  }
0x47: {  	[sflag:s12] =	ssyncset.done $0x0  }
0x48: {  	[sflag:s12] =	ssyncadd.s32 $0xFFFFFF80  }
0x49: {  	[tilespmem:s25], [sflag:$0x1] =	stream.indirect.gather [hbm4b:s4+s24], $0x80, s3, s24, $0xb8;
	[tilespmem:$0x1E900] =	vst v63  }
0x4a: {  	_ = 	snop  }
0x4b: {  	[tilespmem:s24], [sflag:$0x3] =	stream.linear.gather [hbm4b:s0+s3], $0x80, $0x38;
	[tilespmem:$0x1E900] =	vst v63  }
0x4c: {  	_ =	swait.ge [sflag:s26], $0x80  }
0x4d: {  	[sflag:s26] =	ssyncset.done $0x0  }
0x4e: {  	[sflag:s26] =	ssyncadd.s32 $0xFFFFFF80  }
0x4f: {  	[tilespmem:s28], [sflag:$0x1] =	stream.indirect.gather [hbm4b:s4+s24], $0x80, s24, s24, $0xb8;
	[tilespmem:$0x1E900] =	vst v63  }
0x50: {  	_ =	swait.ge [sflag:s29], $0x4000  }
0x51: {  	[sflag:s29] =	ssyncset.done $0x0  }
0x52: {  	s10 =	simm.s32 $0x100;
	[sflag:s29] =	ssyncadd.s32 $0xFFFFC000  }
0x53: {  	[spmem:s2] =	stream.indirect.scatter.add.f32 [tilespmem:s25], [sflag:$0x3], $0x80, s10, s24, $0xb8;
	[tilespmem:$0x1E900] =	vst v63  }
0x54: {  	_ =	swait.ge [sflag:s26], $0x4000  }
0x55: {  	[sflag:s26] =	ssyncset.done $0x0  }
0x56: {  	s11 =	sadd.s32 $0x10, s0;
	[sflag:s26] =	ssyncadd.s32 $0xFFFFC000  }
0x57: {  	[tilespmem:s3], [sflag:$0x3] =	stream.linear.gather [hbm4b:s11+s3], $0x80, $0x38;
	[tilespmem:$0x1E900] =	vst v63  }
0x58: {  	_ =	swait.ge [sflag:s26], $0x80  }
0x59: {  	[sflag:s26] =	ssyncset.done $0x0  }
0x5a: {  	[sflag:s26] =	ssyncadd.s32 $0xFFFFFF80  }
0x5b: {  	[tilespmem:s25], [sflag:$0x1] =	stream.indirect.gather [hbm4b:s4+s24], $0x80, s3, s24, $0xb8;
	[tilespmem:$0x1E900] =	vst v63  }
0x5c: {  	_ =	swait.ge [sflag:s29], $0x4000  }
0x5d: {  	[sflag:s29] =	ssyncset.done $0x0  }
0x5e: {  	s30 =	simm.s32 $0x180;
	[sflag:s29] =	ssyncadd.s32 $0xFFFFC000  }
0x5f: {  	[spmem:s2] =	stream.indirect.scatter.add.f32 [tilespmem:s28], [sflag:$0x2], $0x80, s30, s24, $0xb8;
	[tilespmem:$0x1E900] =	vst v63  }
0x60: {  	_ =	swait.ge [sflag:s12], $0x4000  }
0x61: {  	s1 =	simm.s32 $0x400;
	s10 =	smov.u32 s0;
	[sflag:s12] =	ssyncset.done $0x0  }
.LBB2_2:
0x62: {  	p0 =	sne.s32 s1, $0x9800;
	[sflag:s12] =	ssyncadd.s32 $0xFFFFC000;
	s10 =	sadd.s32 $0x20, s10  }
0x63: {  	[tilespmem:s24], [sflag:$0x3] =	stream.linear.gather [hbm4b:s10+s3], $0x80, $0x38;
	[tilespmem:$0x1E900] =	vst v63  }
0x64: {  	s11 =	smov.u32 s1;
	s1 =	sadd.s32 $0x400, s1;
	_ =	swait.ge [sflag:s26], $0x80  }
0x65: {  	[sflag:s26] =	ssyncset.done $0x0  }
0x66: {  	[sflag:s26] =	ssyncadd.s32 $0xFFFFFF80  }
0x67: {  	[tilespmem:s28], [sflag:$0x1] =	stream.indirect.gather [hbm4b:s4+s24], $0x80, s24, s24, $0xb8;
	[tilespmem:$0x1E900] =	vst v63  }
0x68: {  	_ =	swait.ge [sflag:s29], $0x4000  }
0x69: {  	s11 =	sshra.s32 s11, $0x2;
	[sflag:s29] =	ssyncset.done $0x0  }
0x6a: {  	s30 =	sadd.s32 $0x100, s11;
	[sflag:s29] =	ssyncadd.s32 $0xFFFFC000  }
0x6b: {  	[spmem:s2] =	stream.indirect.scatter.add.f32 [tilespmem:s25], [sflag:$0x3], $0x80, s30, s24, $0xb8;
	[tilespmem:$0x1E900] =	vst v63  }
0x6c: {  	_ =	swait.ge [sflag:s26], $0x4000  }
0x6d: {  	[sflag:s26] =	ssyncset.done $0x0  }
0x6e: {  	s30 =	sadd.s32 $0x10, s10;
	[sflag:s26] =	ssyncadd.s32 $0xFFFFC000  }
0x6f: {  	[tilespmem:s3], [sflag:$0x3] =	stream.linear.gather [hbm4b:s30+s3], $0x80, $0x38;
	[tilespmem:$0x1E900] =	vst v63  }
0x70: {  	_ =	swait.ge [sflag:s26], $0x80  }
0x71: {  	[sflag:s26] =	ssyncset.done $0x0  }
0x72: {  	[sflag:s26] =	ssyncadd.s32 $0xFFFFFF80  }
0x73: {  	[tilespmem:s25], [sflag:$0x1] =	stream.indirect.gather [hbm4b:s4+s24], $0x80, s3, s24, $0xb8;
	[tilespmem:$0x1E900] =	vst v63  }
0x74: {  	_ =	swait.ge [sflag:s29], $0x4000  }
.Ltmp0:
0x75: {  	[sflag:s29] =	ssyncset.done $0x0;
	(pc) =	sbr.rel @p0 .LBB2_2-.Ltmp0, $4  }
0x76: {  	s11 =	sadd.s32 $0x180, s11;
	[sflag:s29] =	ssyncadd.s32 $0xFFFFC000  }
0x77: {  	[spmem:s2] =	stream.indirect.scatter.add.f32 [tilespmem:s28], [sflag:$0x2], $0x80, s11, s24, $0xb8;
	[tilespmem:$0x1E900] =	vst v63  }
0x78: {  	_ =	swait.ge [sflag:s12], $0x4000  }
0x79: {  	[sflag:s12] =	ssyncset.done $0x0  }
0x7a: {  	[sflag:s12] =	ssyncadd.s32 $0xFFFFC000  }
0x7b: {  	_ =	swait.ge [sflag:s29], $0x4000  }
0x7c: {  	[sflag:s29] =	ssyncset.done $0x0  }
0x7d: {  	s1 =	simm.s32 $0x2800;
	[sflag:s29] =	ssyncadd.s32 $0xFFFFC000  }
0x7e: {  	[spmem:s2] =	stream.indirect.scatter.add.f32 [tilespmem:s25], [sflag:$0x3], $0x80, s1, s24, $0xb8;
	[tilespmem:$0x1E900] =	vst v63  }
0x7f: {  	_ =	swait.ge [sflag:s26], $0x4000  }
0x80: {  	s31 =	sadd.s32 $0x1, s31;
	[sflag:s26] =	ssyncset.done $0x0  }
0x81: {  	p0 =	sne.s32 s31, s9;
	[sflag:s26] =	ssyncadd.s32 $0xFFFFC000  }
.Ltmp1:
0x82: {  	[bflag:$0x0] =	sbarrier.arrive $0xFFFF;
	(pc) =	sbr.rel @p0 .LBB2_1-.Ltmp1, $4  }
0x83: {  	[hbm:s8], [sflag:s13] =	dma.local [spmem:s14], $0x2800  }
0x84: {  	_ =	swait.ge [sflag:s12], $0x2800  }
0x85: {  	[sflag:s12] =	ssyncset.done $0x0  }
0x86: {  	[sflag:s12] =	ssyncadd.s32 $0xFFFFD800  }
0x87: {  	_ =	sfence.sel $0x180000  }
0x88: {  	[bflag:$0x0] =	sbarrier.arrive $0xFFFF  }
0x89: {  	_ =	strace $0x9000004A  }
0x8a: {  	s0 =	stileid.u32;
	[bflag:$0x2] =	sbarrier.arrive $0xFFFF  }
0x8b: {  	p0 =	sne.s32 s0, $0x0;
	s0 =	rddreg [dreg:$0x2]  }
0x8c: {  	s0 =	sadd.s32 @!p0 $0x100000, s0  }
0x8d: {  	[sflag:s0] =	ssyncadd.tile.s32 @!p0 $0x1;
	_ =	shalt  }
.Lfunc_end2:
_tile_overlayer_lowered:
.L_overlay_start_2:
0x8e: {  	(tag) =	ssettag $0x2  }
0x8f: {  	s0 =	rddreg [dreg:$0x0];
	s2 =	stileid.u32  }
0x90: {  	s1 =	rddreg [dreg:$0x1];
	p0 =	sne.s32 s2, $0x0  }
0x91: {  	s3 =	rddreg [dreg:$0x2];
	[bflag:$0x3] =	sbarrier.arrive $0xFFFF;
	s2 =	simm.s32 @!p0 $0x1C02  }
0x92: {  	[timem:s3], [sflag:s2] =	dma.local @!p0 [hbm:s0], s1  }
0x93: {  	s0 =	simm.s32 @!p0 $0x2  }
0x94: {  	_ =	swait.ge @!p0 [sflag:s0], s1  }
0x95: {  	s1 =	ssub.s32 @!p0 $0x0, s1;
	[sflag:s0] =	ssyncset.done @!p0 $0x0  }
0x96: {  	[sflag:s0] =	ssyncadd.s32 @!p0 s1  }
0x97: {  	[bflag:$0x3] =	sbarrier.arrive $0xFFFF  }
0x98: {  	_ =	shalt  }

// kernel: kernel.14.cloned.1.call-start
scs
__scs_entry_jumppad:
0x0: {  	(pc) =	sbr.rel $0x88, $3  }
0x1: {  	(tag) =	ssettag $0x0;
	lr =	simm.s32 $0x1  }
0x2: {  	[smem:$0x3F94] =	sst lr;
	_ =	strace $0xD0000000  }
0x3: {  	_ = 	snop  }
0x4: {  	_ = 	snop  }
0x5: {  	_ = 	snop  }
0x6: {  	_ = 	snop  }
0x7: {  	_ = 	snop  }
__scs_overlays_trampoline_lowered:
0x8: {  	[smem:$0x3FA3] =	sst s0  }
0x9: {  	[smem:$0x3FA4] =	sst s1  }
0xa: {  	[smem:$0x3FA5] =	sst s2  }
0xb: {  	[smem:$0x3FA6] =	sst s3  }
0xc: {  	[smem:$0x3FA7] =	sst s4  }
0xd: {  	[smem:$0x3FA8] =	sst s5  }
0xe: {  	[smem:$0x3FA9] =	sst s6  }
0xf: {  	[smem:$0x3FAA] =	sst s7  }
0x10: {  	[smem:$0x3FAB] =	sst s8  }
0x11: {  	[smem:$0x3FAC] =	sst s9;
	s0 =	simm.s32 @!p0 $0x0  }
0x12: {  	s1 =	sld [smem:$0x3F92];
	s0 =	simm.s32 @p0 $0x1  }
0x13: {  	[smem:$0x3FAD] =	sst s0;
	s0 =	simm.s32 @!p1 $0x0  }
0x14: {  	s2 =	sld [smem:$0x3F91];
	s0 =	simm.s32 @p1 $0x1  }
0x15: {  	[smem:$0x3FAE] =	sst s0;
	s0 =	simm.s32 @!p2 $0x0  }
0x16: {  	s3 =	sld [smem:$0x3FDB];
	s0 =	simm.s32 @p2 $0x1  }
0x17: {  	s4 =	simm.s32 $0x1BF5;
	[smem:$0x3FB0] =	sst s0  }
0x18: {  	s0 =	sld [smem:$0x3F93];
	_ =	swait.ge [sflag:s4], $0x0  }
0x19: {  	s7 =	sld [smem:$0x3F94]  }
0x1a: {  	s8 =	sadd.s32 $0xFFFFE003, lr  }
0x1b: {  	s9 =	sadd.s32 $0xFFFFFEF7, lr;
	s5 =	simm.s32 $0xFFFFFFFF;
	p2 =	slt.u32 s8, $0xFFFFF086  }
0x1c: {  	p1 =	slt.u32 s9, $0xF7A;
	s5 =	simm.s32 @!p2 $0x0  }
0x1d: {  	s5 =	simm.s32 @p1 $0x1;
	p0 =	seq.s32 s7, s2  }
0x1e: {  	s7 =	smul.u32 @!p0 $0xF7A, s2;
	p2 =	seq.s32 @!p0 s5, $0x0  }
0x1f: {  	s9 =	smul.u32 $0xF7A, s1;
	s8 =	simm.s32 @!p0 $0x1BF5;
	p2 =	por !p2, p0  }
0x20: {  	[sflag:s8] =	ssyncset.s32 @!p0 $0xFFFFF086;
	s6 =	sadd.s32 @!p0 s3, s7;
	s7 =	simm.s32 @!p0 $0x108  }
0x21: {  	s3 =	sadd.s32 s3, s9;
	s6 =	sadd.s32 @!p0 $0x88, s6;
	s7 =	simm.s32 @p2 $0x1082  }
0x22: {  	[simem:s7], [sflag:s8] =	dma.local @!p0 [hbm:s6], $0xF7A  }
0x23: {  	s9 =	sor.u32 $0xD0000000, s2;
	s6 =	simm.s32 $0x108;
	_ =	swait.ge @!p0 [sflag:s8], $0x0  }
0x24: {  	s3 =	sadd.s32 $0x88, s3;
	s6 =	simm.s32 @!p1 $0x1082;
	[sflag:s4] =	ssyncset.s32 $0xFFFFF086  }
0x25: {  	[simem:s6], [sflag:s4] =	dma.local [hbm:s3], $0xF7A  }
0x26: {  	[smem:$0x3F94] =	sst s1;
	(tag) =	ssettag s2;
	_ =	strace s9  }
0x27: {  	s1 =	sld [smem:$0x3FA4]  }
0x28: {  	s2 =	sld [smem:$0x3FA5]  }
0x29: {  	s4 =	sld [smem:$0x3FA7]  }
0x2a: {  	p0 =	seq.s32 s5, $0x0;
	s5 =	sld [smem:$0x3FA8]  }
0x2b: {  	s6 =	sld [smem:$0x3FA9]  }
0x2c: {  	s7 =	sld [smem:$0x3FAA]  }
0x2d: {  	s3 =	simm.s32 $0x108;
	s8 =	sld [smem:$0x3FAB]  }
0x2e: {  	s3 =	simm.s32 @!p0 $0x1082;
	s9 =	sld [smem:$0x3FAC]  }
0x2f: {  	lr =	sadd.s32 s0, s3;
	s0 =	sld [smem:$0x3FA3]  }
0x30: {  	s3 =	sld [smem:$0x3FA6]  }
0x31: {  	[smem:$0x3FAF] =	sst s10  }
0x32: {  	s10 =	sld [smem:$0x3FAD];
	_ =	sdelay $0x3  }
0x33: {  	p0 =	seq.s32 s10, $0x1;
	s10 =	sld [smem:$0x3FAF];
	_ =	sdelay $0x3  }
0x34: {  	[smem:$0x3FAF] =	sst s10  }
0x35: {  	s10 =	sld [smem:$0x3FAE];
	_ =	sdelay $0x3  }
0x36: {  	p1 =	seq.s32 s10, $0x1;
	s10 =	sld [smem:$0x3FAF];
	_ =	sdelay $0x3  }
0x37: {  	[smem:$0x3FAF] =	sst s10  }
0x38: {  	s10 =	sld [smem:$0x3FB0]  }
0x39: {  	_ = 	snop;
	(pc) =	sbr.ind lr, $3  }
0x3a: {  	_ = 	snop  }
0x3b: {  	_ = 	snop  }
0x3c: {  	p2 =	seq.s32 s10, $0x1;
	s10 =	sld [smem:$0x3FAF]  }
0x3d: {  	_ =	shalt  }
0x3e: {  	_ =	shalt  }
0x3f: {  	_ =	shalt  }
0x40: {  	_ =	shalt  }
0x41: {  	_ =	shalt  }
0x42: {  	_ =	shalt  }
0x43: {  	_ =	shalt  }
0x44: {  	_ =	shalt  }
0x45: {  	_ =	shalt  }
0x46: {  	_ =	shalt  }
0x47: {  	_ =	shalt  }
0x48: {  	_ =	shalt  }
0x49: {  	_ =	shalt  }
0x4a: {  	_ =	shalt  }
0x4b: {  	_ =	shalt  }
0x4c: {  	_ =	shalt  }
0x4d: {  	_ =	shalt  }
0x4e: {  	_ =	shalt  }
0x4f: {  	_ =	shalt  }
0x50: {  	_ =	shalt  }
0x51: {  	_ =	shalt  }
0x52: {  	_ =	shalt  }
0x53: {  	_ =	shalt  }
0x54: {  	_ =	shalt  }
0x55: {  	_ =	shalt  }
0x56: {  	_ =	shalt  }
0x57: {  	_ =	shalt  }
0x58: {  	_ =	shalt  }
0x59: {  	_ =	shalt  }
0x5a: {  	_ =	shalt  }
0x5b: {  	_ =	shalt  }
0x5c: {  	_ =	shalt  }
0x5d: {  	_ =	shalt  }
0x5e: {  	_ =	shalt  }
0x5f: {  	_ =	shalt  }
0x60: {  	_ =	shalt  }
0x61: {  	_ =	shalt  }
0x62: {  	_ =	shalt  }
0x63: {  	_ =	shalt  }
0x64: {  	_ =	shalt  }
0x65: {  	_ =	shalt  }
0x66: {  	_ =	shalt  }
0x67: {  	_ =	shalt  }
0x68: {  	_ =	shalt  }
0x69: {  	_ =	shalt  }
0x6a: {  	_ =	shalt  }
0x6b: {  	_ =	shalt  }
0x6c: {  	_ =	shalt  }
0x6d: {  	_ =	shalt  }
0x6e: {  	_ =	shalt  }
0x6f: {  	_ =	shalt  }
0x70: {  	_ =	shalt  }
0x71: {  	_ =	shalt  }
0x72: {  	_ =	shalt  }
0x73: {  	_ =	shalt  }
0x74: {  	_ =	shalt  }
0x75: {  	_ =	shalt  }
0x76: {  	_ =	shalt  }
0x77: {  	_ =	shalt  }
0x78: {  	_ =	shalt  }
0x79: {  	_ =	shalt  }
0x7a: {  	_ =	shalt  }
0x7b: {  	_ =	shalt  }
0x7c: {  	_ =	shalt  }
0x7d: {  	_ =	shalt  }
0x7e: {  	_ =	shalt  }
0x7f: {  	_ =	shalt  }
0x80: {  	_ =	shalt  }
0x81: {  	_ =	shalt  }
0x82: {  	_ =	shalt  }
0x83: {  	_ =	shalt  }
0x84: {  	_ =	shalt  }
0x85: {  	_ =	shalt  }
0x86: {  	_ =	shalt  }
0x87: {  	_ =	shalt  }
.Lfunc_end0:
.L_simem_size_0:
called_computation.2_lowered:
.L_overlay_start_0:
0x88: {  	s2 =	sld [smem:$0x3FD9]  }
0x89: {  	s3 =	sld [smem:$0x3FFE];
	_ =	sdelay $0x1  }
0x8a: {  	s1 =	srdreg.scid  }
0x8b: {  	s0 =	sand.u32 $0x1, s1  }
0x8c: {  	s16 =	sshll.u32 s0, $0xA;
	s2 =	sadd.s32 s3, s2  }
0x8d: {  	s2 =	sadd.s32 s2, s16  }
0x8e: {  	[smem:$0x3FBB] =	sst s2  }
0x8f: {  	_ = 	snop  }
0x90: {  	(tm) =	ssettm $0x1  }
0x91: {  	s17 =	sld [smem:$0x3FFB];
	_ =	sdelay $0x3  }
0x92: {  	_ =	strace s17  }
0x93: {  	s2 =	sld [smem:$0x3FFC];
	_ =	sdelay $0x3  }
0x94: {  	_ =	strace s2  }
0x95: {  	s2 =	sld [smem:$0x3FFD];
	_ =	sdelay $0x3  }
0x96: {  	_ =	strace s2  }
0x97: {  	_ =	strace $0x8FFFFFFF  }
0x98: {  	s18 =	sld [smem:$0x3FDB];
	_ =	sdelay $0x1  }
0x99: {  	s19 =	simm.s32 $_scs_section_size  }
0x9a: {  	s4 =	simm.s32 $_size__tile_overlayer_lowered;
	s5 =	simm.s32 $_tile_overlayer_lowered  }
0x9b: {  	s22 =	simm.s32 $0x1BFF;
	s21 =	sshll.u32 s5, $0x1;
	s2 =	sadd.s32 s19, s18  }
0x9c: {  	s6 =	simm.s32 $0x0;
	s20 =	sshll.u32 s4, $0x1;
	s4 =	sadd.s32 s21, s2  }
0x9d: {  	[timem:s6], [sflag:s22] =	dma.local [hbm:s4], s20  }
0x9e: {  	_ =	swait.ge [sflag:s22], s20  }
0x9f: {  	s3 =	ssub.s32 $0x0, s20;
	[sflag:s22] =	ssyncset.done $0x0  }
0xa0: {  	[sflag:s22] =	ssyncadd.s32 s3;
	_ =	sdelay $0x1  }
0xa1: {  	s23 =	simm.s32 $0x1B8B  }
0xa2: {  	_ =	swait.ge [sflag:s23], $0x1  }
0xa3: {  	[sflag:s23] =	ssyncset.done $0x0  }
0xa4: {  	s25 =	simm.s32 $0x1B8E;
	s24 =	sld [smem:$0x3FFE];
	[sflag:s23] =	ssyncadd.s32 $0xFFFFFFFF  }
0xa5: {  	s26 =	simm.s32 $execute0_lowered;
	[smem:$0x3FD2] =	sst s25  }
0xa6: {  	s4 =	sshll.u32 s26, $0x1;
	_ =	strace $0x8000004C;
	[dreg:$0x1] =	wrdreg $0xFFFFFFFF  }
0xa7: {  	s28 =	simm.s32 $_size_execute0_lowered;
	s2 =	sadd.s32 s2, s4;
	[dreg:$0x0] =	wrdreg $0x0  }
0xa8: {  	s4 =	sshll.u32 s28, $0x1;
	[dreg:$0x2] =	wrdreg s2  }
0xa9: {  	[dreg:$0x3] =	wrdreg s4  }
0xaa: {  	[dreg:$0x4] =	wrdreg $0xC0  }
0xab: {  	_ =	task [dreg:s6], $0x5FFFF  }
0xac: {  	[dreg:$0x1] =	wrdreg $0xFFFFFFFF  }
0xad: {  	[dreg:$0x0] =	wrdreg $0x60  }
0xae: {  	[dreg:$0x2] =	wrdreg s24  }
0xaf: {  	[dreg:$0x3] =	wrdreg $0xA9000  }
0xb0: {  	[dreg:$0x4] =	wrdreg $0x9  }
0xb1: {  	_ =	task.clear_ibuf [dreg:s6], $0x5FFFF;
	_ =	strace $0x9000004C  }
0xb2: {  	s29 =	simm.s32 $0x9;
	_ =	strace $0x8000004E  }
0xb3: {  	_ =	swait.ge [sflag:s29], $0x1  }
0xb4: {  	[sflag:s29] =	ssyncadd.s32 $0xFFFFFFFF  }
0xb5: {  	_ =	strace $0x9000004E  }
0xb6: {  	_ =	sfence  }
0xb7: {  	s30 =	sld [smem:$0x0];
	_ =	sdelay $0x2  }
0xb8: {  	s31 =	sshll.u32 s1, $0xD;
	s1 =	sshrl.u32 s1, $0x2  }
0xb9: {  	s3 =	sand.u32 $0x4000, s31;
	s1 =	sadd.s32 s1, s30  }
0xba: {  	s0 =	sor.u32 s3, s0;
	s1 =	sshll.u32 s1, $0x11  }
0xbb: {  	s0 =	sor.u32 s1, s0  }
0xbc: {  	s0 =	sadd.s32 $0x8F2B, s0  }
0xbd: {  	[sflag:s0] =	ssyncadd.remote.s32 $0x1  }
0xbe: {  	_ =	sfence.sel $0xFFFF  }
0xbf: {  	[dreg:$0x0] =	wrdreg $0xFFFFFFFF;
	(pc) =	sbr.abs _section_cstart, $3  }
0xc0: {  	[dreg:$0x1] =	wrdreg $0xFFFFFFFF  }
0xc1: {  	_ =	task.clear_ibuf [dreg:s6], $0x2FFFF;
	_ =	strace $0x9FFFFFFF  }
0xc2: {  	(tm) =	ssettm $0x7FFFFFFF  }
0xc3: {  	_ =	shalt  }
tec
execute0_lowered:
.L_overlay_start_1:
0x0: {  	(tag) =	ssettag $0x1  }
0x1: {  	s0 =	srdreg.scid;
	s6 =	rddreg [dreg:$0x0]  }
0x2: {  	s15 =	stileid.u32;
	s2 =	rddreg [dreg:$0x1]  }
0x3: {  	s3 =	simm.s32 $0x0;
	s28 =	simm.s32 $0x6900;
	s29 =	simm.s32 $0x1  }
0x4: {  	s31 =	simm.s32 $0x0;
	s0 =	sand.u32 $0x1, s0;
	s8 =	smul.u32 $0x14000, s15  }
0x5: {  	[smem:$0x7FF] =	sst s3;
	s4 =	sadd.s32 $0x13000, s6;
	s11 =	smul.u32 $0x50000, s15  }
0x6: {  	s10 =	sadd.s32 $0xBD800, s6;
	s25 =	smul.u32 $0x4F0, s15;
	s30 =	sshll.u32 s15, $0x6  }
0x7: {  	s1 =	sshll.u32 s0, $0x4;
	s7 =	smul.u32 $0x140000, s0;
	_ =	strace $0x8000004D  }
0x8: {  	s21 =	ssub.s32 $0x2, s0;
	s0 =	smul.u32 $0x4F00, s0;
	s1 =	sor.u32 s15, s1  }
0x9: {  	s22 =	sshrl.u32 s21, $0x1;
	s23 =	sshrl.u32 s11, $0x2;
	s5 =	smul.u32 $0x500, s1  }
0xa: {  	s7 =	sadd.s32 s8, s7;
	s1 =	smul.u32 $0x4F0, s1;
	s13 =	ssub.s32 s21, s22  }
0xb: {  	s14 =	sadd.s32 s23, s2;
	s0 =	sadd.s32 s0, s10;
	s7 =	sshrl.u32 s7, $0x3  }
0xc: {  	s24 =	sadd.s32 $0x2000, s14;
	s16 =	sadd.s32 $0x4000, s14;
	s17 =	sadd.s32 $0x6000, s14  }
0xd: {  	s18 =	sadd.s32 $0x8000, s14;
	s19 =	sadd.s32 $0xA000, s14;
	s26 =	sadd.s32 $0xC000, s14  }
0xe: {  	s21 =	sadd.s32 $0xE000, s14;
	s0 =	sadd.s32 s25, s0;
	s22 =	sadd.s32 $0x10000, s14  }
0xf: {  	s23 =	sadd.s32 $0x12000, s14;
	s14 =	sshrl.u32 s14, $0x3;
	s25 =	simm.s32 $0x2900  }
0x10: {  	s9 =	sadd.s32 s5, s6;
	s5 =	sadd.s32 $0x12C00, s6;
	s12 =	sadd.s32 s7, s6  }
0x11: {  	s7 =	sadd.s32 s10, s1;
	s0 =	sadd.s32 $0x10, s0;
	s15 =	sshrl.u32 s24, $0x3  }
0x12: {  	s16 =	sshrl.u32 s16, $0x3;
	s17 =	sshrl.u32 s17, $0x3;
	s18 =	sshrl.u32 s18, $0x3  }
0x13: {  	s19 =	sshrl.u32 s19, $0x3;
	s20 =	sshrl.u32 s26, $0x3;
	s21 =	sshrl.u32 s21, $0x3  }
0x14: {  	s22 =	sshrl.u32 s22, $0x3;
	s23 =	sshrl.u32 s23, $0x3;
	s24 =	simm.s32 $0x80  }
0x15: {  	s26 =	simm.s32 $0x3;
	s6 =	sadd.s32 $0xB3800, s9;
	s8 =	sadd.s32 $0x3A200, s12  }
0x16: {  	s9 =	smax.u32 s13, $0x1;
	s12 =	simm.s32 $0x2;
	s13 =	sor.u32 $0x1C02, s30  }
.LBB2_1:
0x17: {  	s1 =	simm.s32 $0x100  }
0x18: {  	[tilespmem:s1], [sflag:$0x2] =	stream.linear.gather [hbm4b:s6+s3], $0x2780, $0x38;
	[tilespmem:$0x1E900] =	vst v63  }
0x19: {  	_ =	swait.ge [sflag:s12], $0x2780  }
0x1a: {  	[sflag:s12] =	ssyncset.done $0x0  }
0x1b: {  	[sflag:s12] =	ssyncadd.s32 $0xFFFFD880  }
0x1c: {  	[spmem:s14], [sflag:s13] =	dma.local [hbm:s5], $0x400  }
0x1d: {  	_ =	swait.ge [sflag:s12], $0x400  }
0x1e: {  	[sflag:s12] =	ssyncset.done $0x0  }
0x1f: {  	[sflag:s12] =	ssyncadd.s32 $0xFFFFFC00  }
0x20: {  	[spmem:s15], [sflag:s13] =	dma.local [hbm:s5], $0x400  }
0x21: {  	_ =	swait.ge [sflag:s12], $0x400  }
0x22: {  	[sflag:s12] =	ssyncset.done $0x0  }
0x23: {  	[sflag:s12] =	ssyncadd.s32 $0xFFFFFC00  }
0x24: {  	[spmem:s16], [sflag:s13] =	dma.local [hbm:s5], $0x400  }
0x25: {  	_ =	swait.ge [sflag:s12], $0x400  }
0x26: {  	[sflag:s12] =	ssyncset.done $0x0  }
0x27: {  	[sflag:s12] =	ssyncadd.s32 $0xFFFFFC00  }
0x28: {  	[spmem:s17], [sflag:s13] =	dma.local [hbm:s5], $0x400  }
0x29: {  	_ =	swait.ge [sflag:s12], $0x400  }
0x2a: {  	[sflag:s12] =	ssyncset.done $0x0  }
0x2b: {  	[sflag:s12] =	ssyncadd.s32 $0xFFFFFC00  }
0x2c: {  	[spmem:s18], [sflag:s13] =	dma.local [hbm:s5], $0x400  }
0x2d: {  	_ =	swait.ge [sflag:s12], $0x400  }
0x2e: {  	[sflag:s12] =	ssyncset.done $0x0  }
0x2f: {  	[sflag:s12] =	ssyncadd.s32 $0xFFFFFC00  }
0x30: {  	[spmem:s19], [sflag:s13] =	dma.local [hbm:s5], $0x400  }
0x31: {  	_ =	swait.ge [sflag:s12], $0x400  }
0x32: {  	[sflag:s12] =	ssyncset.done $0x0  }
0x33: {  	[sflag:s12] =	ssyncadd.s32 $0xFFFFFC00  }
0x34: {  	[spmem:s20], [sflag:s13] =	dma.local [hbm:s5], $0x400  }
0x35: {  	_ =	swait.ge [sflag:s12], $0x400  }
0x36: {  	[sflag:s12] =	ssyncset.done $0x0  }
0x37: {  	[sflag:s12] =	ssyncadd.s32 $0xFFFFFC00  }
0x38: {  	[spmem:s21], [sflag:s13] =	dma.local [hbm:s5], $0x400  }
0x39: {  	_ =	swait.ge [sflag:s12], $0x400  }
0x3a: {  	[sflag:s12] =	ssyncset.done $0x0  }
0x3b: {  	[sflag:s12] =	ssyncadd.s32 $0xFFFFFC00  }
0x3c: {  	[spmem:s22], [sflag:s13] =	dma.local [hbm:s5], $0x400  }
0x3d: {  	_ =	swait.ge [sflag:s12], $0x400  }
0x3e: {  	[sflag:s12] =	ssyncset.done $0x0  }
0x3f: {  	[sflag:s12] =	ssyncadd.s32 $0xFFFFFC00  }
0x40: {  	[spmem:s23], [sflag:s13] =	dma.local [hbm:s5], $0x400  }
0x41: {  	_ =	swait.ge [sflag:s12], $0x400  }
0x42: {  	[sflag:s12] =	ssyncset.done $0x0  }
0x43: {  	[sflag:s12] =	ssyncadd.s32 $0xFFFFFC00  }
0x44: {  	[bflag:$0x0] =	sbarrier.arrive $0xFFFF  }
0x45: {  	[tilespmem:s3], [sflag:$0x2] =	stream.linear.gather [hbm4b:s7+s3], $0x80, $0x38;
	[tilespmem:$0x1E900] =	vst v63  }
0x46: {  	_ =	swait.ge [sflag:s12], $0x80  }
0x47: {  	[sflag:s12] =	ssyncset.done $0x0  }
0x48: {  	[sflag:s12] =	ssyncadd.s32 $0xFFFFFF80  }
0x49: {  	[tilespmem:s25], [sflag:$0x1] =	stream.indirect.gather [hbm4b:s4+s24], $0x80, s3, s24, $0xb8;
	[tilespmem:$0x1E900] =	vst v63  }
0x4a: {  	_ = 	snop  }
0x4b: {  	[tilespmem:s24], [sflag:$0x3] =	stream.linear.gather [hbm4b:s0+s3], $0x80, $0x38;
	[tilespmem:$0x1E900] =	vst v63  }
0x4c: {  	_ =	swait.ge [sflag:s26], $0x80  }
0x4d: {  	[sflag:s26] =	ssyncset.done $0x0  }
0x4e: {  	[sflag:s26] =	ssyncadd.s32 $0xFFFFFF80  }
0x4f: {  	[tilespmem:s28], [sflag:$0x1] =	stream.indirect.gather [hbm4b:s4+s24], $0x80, s24, s24, $0xb8;
	[tilespmem:$0x1E900] =	vst v63  }
0x50: {  	_ =	swait.ge [sflag:s29], $0x4000  }
0x51: {  	[sflag:s29] =	ssyncset.done $0x0  }
0x52: {  	s10 =	simm.s32 $0x100;
	[sflag:s29] =	ssyncadd.s32 $0xFFFFC000  }
0x53: {  	[spmem:s2] =	stream.indirect.scatter.add.f32 [tilespmem:s25], [sflag:$0x3], $0x80, s10, s24, $0xb8;
	[tilespmem:$0x1E900] =	vst v63  }
0x54: {  	_ =	swait.ge [sflag:s26], $0x4000  }
0x55: {  	[sflag:s26] =	ssyncset.done $0x0  }
0x56: {  	s11 =	sadd.s32 $0x10, s0;
	[sflag:s26] =	ssyncadd.s32 $0xFFFFC000  }
0x57: {  	[tilespmem:s3], [sflag:$0x3] =	stream.linear.gather [hbm4b:s11+s3], $0x80, $0x38;
	[tilespmem:$0x1E900] =	vst v63  }
0x58: {  	_ =	swait.ge [sflag:s26], $0x80  }
0x59: {  	[sflag:s26] =	ssyncset.done $0x0  }
0x5a: {  	[sflag:s26] =	ssyncadd.s32 $0xFFFFFF80  }
0x5b: {  	[tilespmem:s25], [sflag:$0x1] =	stream.indirect.gather [hbm4b:s4+s24], $0x80, s3, s24, $0xb8;
	[tilespmem:$0x1E900] =	vst v63  }
0x5c: {  	_ =	swait.ge [sflag:s29], $0x4000  }
0x5d: {  	[sflag:s29] =	ssyncset.done $0x0  }
0x5e: {  	s30 =	simm.s32 $0x180;
	[sflag:s29] =	ssyncadd.s32 $0xFFFFC000  }
0x5f: {  	[spmem:s2] =	stream.indirect.scatter.add.f32 [tilespmem:s28], [sflag:$0x2], $0x80, s30, s24, $0xb8;
	[tilespmem:$0x1E900] =	vst v63  }
0x60: {  	_ =	swait.ge [sflag:s12], $0x4000  }
0x61: {  	s1 =	simm.s32 $0x400;
	s10 =	smov.u32 s0;
	[sflag:s12] =	ssyncset.done $0x0  }
.LBB2_2:
0x62: {  	p0 =	sne.s32 s1, $0x9800;
	[sflag:s12] =	ssyncadd.s32 $0xFFFFC000;
	s10 =	sadd.s32 $0x20, s10  }
0x63: {  	[tilespmem:s24], [sflag:$0x3] =	stream.linear.gather [hbm4b:s10+s3], $0x80, $0x38;
	[tilespmem:$0x1E900] =	vst v63  }
0x64: {  	s11 =	smov.u32 s1;
	s1 =	sadd.s32 $0x400, s1;
	_ =	swait.ge [sflag:s26], $0x80  }
0x65: {  	[sflag:s26] =	ssyncset.done $0x0  }
0x66: {  	[sflag:s26] =	ssyncadd.s32 $0xFFFFFF80  }
0x67: {  	[tilespmem:s28], [sflag:$0x1] =	stream.indirect.gather [hbm4b:s4+s24], $0x80, s24, s24, $0xb8;
	[tilespmem:$0x1E900] =	vst v63  }
0x68: {  	_ =	swait.ge [sflag:s29], $0x4000  }
0x69: {  	s11 =	sshra.s32 s11, $0x2;
	[sflag:s29] =	ssyncset.done $0x0  }
0x6a: {  	s30 =	sadd.s32 $0x100, s11;
	[sflag:s29] =	ssyncadd.s32 $0xFFFFC000  }
0x6b: {  	[spmem:s2] =	stream.indirect.scatter.add.f32 [tilespmem:s25], [sflag:$0x3], $0x80, s30, s24, $0xb8;
	[tilespmem:$0x1E900] =	vst v63  }
0x6c: {  	_ =	swait.ge [sflag:s26], $0x4000  }
0x6d: {  	[sflag:s26] =	ssyncset.done $0x0  }
0x6e: {  	s30 =	sadd.s32 $0x10, s10;
	[sflag:s26] =	ssyncadd.s32 $0xFFFFC000  }
0x6f: {  	[tilespmem:s3], [sflag:$0x3] =	stream.linear.gather [hbm4b:s30+s3], $0x80, $0x38;
	[tilespmem:$0x1E900] =	vst v63  }
0x70: {  	_ =	swait.ge [sflag:s26], $0x80  }
0x71: {  	[sflag:s26] =	ssyncset.done $0x0  }
0x72: {  	[sflag:s26] =	ssyncadd.s32 $0xFFFFFF80  }
0x73: {  	[tilespmem:s25], [sflag:$0x1] =	stream.indirect.gather [hbm4b:s4+s24], $0x80, s3, s24, $0xb8;
	[tilespmem:$0x1E900] =	vst v63  }
0x74: {  	_ =	swait.ge [sflag:s29], $0x4000  }
.Ltmp0:
0x75: {  	[sflag:s29] =	ssyncset.done $0x0;
	(pc) =	sbr.rel @p0 .LBB2_2-.Ltmp0, $4  }
0x76: {  	s11 =	sadd.s32 $0x180, s11;
	[sflag:s29] =	ssyncadd.s32 $0xFFFFC000  }
0x77: {  	[spmem:s2] =	stream.indirect.scatter.add.f32 [tilespmem:s28], [sflag:$0x2], $0x80, s11, s24, $0xb8;
	[tilespmem:$0x1E900] =	vst v63  }
0x78: {  	_ =	swait.ge [sflag:s12], $0x4000  }
0x79: {  	[sflag:s12] =	ssyncset.done $0x0  }
0x7a: {  	[sflag:s12] =	ssyncadd.s32 $0xFFFFC000  }
0x7b: {  	_ =	swait.ge [sflag:s29], $0x4000  }
0x7c: {  	[sflag:s29] =	ssyncset.done $0x0  }
0x7d: {  	s1 =	simm.s32 $0x2800;
	[sflag:s29] =	ssyncadd.s32 $0xFFFFC000  }
0x7e: {  	[spmem:s2] =	stream.indirect.scatter.add.f32 [tilespmem:s25], [sflag:$0x3], $0x80, s1, s24, $0xb8;
	[tilespmem:$0x1E900] =	vst v63  }
0x7f: {  	_ =	swait.ge [sflag:s26], $0x4000  }
0x80: {  	s31 =	sadd.s32 $0x1, s31;
	[sflag:s26] =	ssyncset.done $0x0  }
0x81: {  	p0 =	sne.s32 s31, s9;
	[sflag:s26] =	ssyncadd.s32 $0xFFFFC000  }
.Ltmp1:
0x82: {  	[bflag:$0x0] =	sbarrier.arrive $0xFFFF;
	(pc) =	sbr.rel @p0 .LBB2_1-.Ltmp1, $4  }
0x83: {  	[hbm:s8], [sflag:s13] =	dma.local [spmem:s14], $0x2800  }
0x84: {  	_ =	swait.ge [sflag:s12], $0x2800  }
0x85: {  	[sflag:s12] =	ssyncset.done $0x0  }
0x86: {  	[sflag:s12] =	ssyncadd.s32 $0xFFFFD800  }
0x87: {  	_ =	sfence.sel $0x180000  }
0x88: {  	[bflag:$0x0] =	sbarrier.arrive $0xFFFF  }
0x89: {  	_ =	strace $0x9000004D  }
0x8a: {  	s0 =	stileid.u32;
	[bflag:$0x2] =	sbarrier.arrive $0xFFFF  }
0x8b: {  	p0 =	sne.s32 s0, $0x0;
	s0 =	rddreg [dreg:$0x2]  }
0x8c: {  	s0 =	sadd.s32 @!p0 $0x100000, s0  }
0x8d: {  	[sflag:s0] =	ssyncadd.tile.s32 @!p0 $0x1;
	_ =	shalt  }
.Lfunc_end2:
_tile_overlayer_lowered:
.L_overlay_start_2:
0x8e: {  	(tag) =	ssettag $0x2  }
0x8f: {  	s0 =	rddreg [dreg:$0x0];
	s2 =	stileid.u32  }
0x90: {  	s1 =	rddreg [dreg:$0x1];
	p0 =	sne.s32 s2, $0x0  }
0x91: {  	s3 =	rddreg [dreg:$0x2];
	[bflag:$0x3] =	sbarrier.arrive $0xFFFF;
	s2 =	simm.s32 @!p0 $0x1C02  }
0x92: {  	[timem:s3], [sflag:s2] =	dma.local @!p0 [hbm:s0], s1  }
0x93: {  	s0 =	simm.s32 @!p0 $0x2  }
0x94: {  	_ =	swait.ge @!p0 [sflag:s0], s1  }
0x95: {  	s1 =	ssub.s32 @!p0 $0x0, s1;
	[sflag:s0] =	ssyncset.done @!p0 $0x0  }
0x96: {  	[sflag:s0] =	ssyncadd.s32 @!p0 s1  }
0x97: {  	[bflag:$0x3] =	sbarrier.arrive $0xFFFF  }
0x98: {  	_ =	shalt  }

// kernel: kernel.8.cloned.1.call-start
scs
__scs_entry_jumppad:
0x0: {  	(pc) =	sbr.rel $0x88, $3  }
0x1: {  	(tag) =	ssettag $0x0;
	lr =	simm.s32 $0x1  }
0x2: {  	[smem:$0x3F94] =	sst lr;
	_ =	strace $0xD0000000  }
0x3: {  	_ = 	snop  }
0x4: {  	_ = 	snop  }
0x5: {  	_ = 	snop  }
0x6: {  	_ = 	snop  }
0x7: {  	_ = 	snop  }
__scs_overlays_trampoline_lowered:
0x8: {  	[smem:$0x3FA3] =	sst s0  }
0x9: {  	[smem:$0x3FA4] =	sst s1  }
0xa: {  	[smem:$0x3FA5] =	sst s2  }
0xb: {  	[smem:$0x3FA6] =	sst s3  }
0xc: {  	[smem:$0x3FA7] =	sst s4  }
0xd: {  	[smem:$0x3FA8] =	sst s5  }
0xe: {  	[smem:$0x3FA9] =	sst s6  }
0xf: {  	[smem:$0x3FAA] =	sst s7  }
0x10: {  	[smem:$0x3FAB] =	sst s8  }
0x11: {  	[smem:$0x3FAC] =	sst s9;
	s0 =	simm.s32 @!p0 $0x0  }
0x12: {  	s1 =	sld [smem:$0x3F92];
	s0 =	simm.s32 @p0 $0x1  }
0x13: {  	[smem:$0x3FAD] =	sst s0;
	s0 =	simm.s32 @!p1 $0x0  }
0x14: {  	s2 =	sld [smem:$0x3F91];
	s0 =	simm.s32 @p1 $0x1  }
0x15: {  	[smem:$0x3FAE] =	sst s0;
	s0 =	simm.s32 @!p2 $0x0  }
0x16: {  	s3 =	sld [smem:$0x3FDB];
	s0 =	simm.s32 @p2 $0x1  }
0x17: {  	s4 =	simm.s32 $0x1BF5;
	[smem:$0x3FB0] =	sst s0  }
0x18: {  	s0 =	sld [smem:$0x3F93];
	_ =	swait.ge [sflag:s4], $0x0  }
0x19: {  	s7 =	sld [smem:$0x3F94]  }
0x1a: {  	s8 =	sadd.s32 $0xFFFFE003, lr  }
0x1b: {  	s9 =	sadd.s32 $0xFFFFFEF7, lr;
	s5 =	simm.s32 $0xFFFFFFFF;
	p2 =	slt.u32 s8, $0xFFFFF086  }
0x1c: {  	p1 =	slt.u32 s9, $0xF7A;
	s5 =	simm.s32 @!p2 $0x0  }
0x1d: {  	s5 =	simm.s32 @p1 $0x1;
	p0 =	seq.s32 s7, s2  }
0x1e: {  	s7 =	smul.u32 @!p0 $0xF7A, s2;
	p2 =	seq.s32 @!p0 s5, $0x0  }
0x1f: {  	s9 =	smul.u32 $0xF7A, s1;
	s8 =	simm.s32 @!p0 $0x1BF5;
	p2 =	por !p2, p0  }
0x20: {  	[sflag:s8] =	ssyncset.s32 @!p0 $0xFFFFF086;
	s6 =	sadd.s32 @!p0 s3, s7;
	s7 =	simm.s32 @!p0 $0x108  }
0x21: {  	s3 =	sadd.s32 s3, s9;
	s6 =	sadd.s32 @!p0 $0x88, s6;
	s7 =	simm.s32 @p2 $0x1082  }
0x22: {  	[simem:s7], [sflag:s8] =	dma.local @!p0 [hbm:s6], $0xF7A  }
0x23: {  	s9 =	sor.u32 $0xD0000000, s2;
	s6 =	simm.s32 $0x108;
	_ =	swait.ge @!p0 [sflag:s8], $0x0  }
0x24: {  	s3 =	sadd.s32 $0x88, s3;
	s6 =	simm.s32 @!p1 $0x1082;
	[sflag:s4] =	ssyncset.s32 $0xFFFFF086  }
0x25: {  	[simem:s6], [sflag:s4] =	dma.local [hbm:s3], $0xF7A  }
0x26: {  	[smem:$0x3F94] =	sst s1;
	(tag) =	ssettag s2;
	_ =	strace s9  }
0x27: {  	s1 =	sld [smem:$0x3FA4]  }
0x28: {  	s2 =	sld [smem:$0x3FA5]  }
0x29: {  	s4 =	sld [smem:$0x3FA7]  }
0x2a: {  	p0 =	seq.s32 s5, $0x0;
	s5 =	sld [smem:$0x3FA8]  }
0x2b: {  	s6 =	sld [smem:$0x3FA9]  }
0x2c: {  	s7 =	sld [smem:$0x3FAA]  }
0x2d: {  	s3 =	simm.s32 $0x108;
	s8 =	sld [smem:$0x3FAB]  }
0x2e: {  	s3 =	simm.s32 @!p0 $0x1082;
	s9 =	sld [smem:$0x3FAC]  }
0x2f: {  	lr =	sadd.s32 s0, s3;
	s0 =	sld [smem:$0x3FA3]  }
0x30: {  	s3 =	sld [smem:$0x3FA6]  }
0x31: {  	[smem:$0x3FAF] =	sst s10  }
0x32: {  	s10 =	sld [smem:$0x3FAD];
	_ =	sdelay $0x3  }
0x33: {  	p0 =	seq.s32 s10, $0x1;
	s10 =	sld [smem:$0x3FAF];
	_ =	sdelay $0x3  }
0x34: {  	[smem:$0x3FAF] =	sst s10  }
0x35: {  	s10 =	sld [smem:$0x3FAE];
	_ =	sdelay $0x3  }
0x36: {  	p1 =	seq.s32 s10, $0x1;
	s10 =	sld [smem:$0x3FAF];
	_ =	sdelay $0x3  }
0x37: {  	[smem:$0x3FAF] =	sst s10  }
0x38: {  	s10 =	sld [smem:$0x3FB0]  }
0x39: {  	_ = 	snop;
	(pc) =	sbr.ind lr, $3  }
0x3a: {  	_ = 	snop  }
0x3b: {  	_ = 	snop  }
0x3c: {  	p2 =	seq.s32 s10, $0x1;
	s10 =	sld [smem:$0x3FAF]  }
0x3d: {  	_ =	shalt  }
0x3e: {  	_ =	shalt  }
0x3f: {  	_ =	shalt  }
0x40: {  	_ =	shalt  }
0x41: {  	_ =	shalt  }
0x42: {  	_ =	shalt  }
0x43: {  	_ =	shalt  }
0x44: {  	_ =	shalt  }
0x45: {  	_ =	shalt  }
0x46: {  	_ =	shalt  }
0x47: {  	_ =	shalt  }
0x48: {  	_ =	shalt  }
0x49: {  	_ =	shalt  }
0x4a: {  	_ =	shalt  }
0x4b: {  	_ =	shalt  }
0x4c: {  	_ =	shalt  }
0x4d: {  	_ =	shalt  }
0x4e: {  	_ =	shalt  }
0x4f: {  	_ =	shalt  }
0x50: {  	_ =	shalt  }
0x51: {  	_ =	shalt  }
0x52: {  	_ =	shalt  }
0x53: {  	_ =	shalt  }
0x54: {  	_ =	shalt  }
0x55: {  	_ =	shalt  }
0x56: {  	_ =	shalt  }
0x57: {  	_ =	shalt  }
0x58: {  	_ =	shalt  }
0x59: {  	_ =	shalt  }
0x5a: {  	_ =	shalt  }
0x5b: {  	_ =	shalt  }
0x5c: {  	_ =	shalt  }
0x5d: {  	_ =	shalt  }
0x5e: {  	_ =	shalt  }
0x5f: {  	_ =	shalt  }
0x60: {  	_ =	shalt  }
0x61: {  	_ =	shalt  }
0x62: {  	_ =	shalt  }
0x63: {  	_ =	shalt  }
0x64: {  	_ =	shalt  }
0x65: {  	_ =	shalt  }
0x66: {  	_ =	shalt  }
0x67: {  	_ =	shalt  }
0x68: {  	_ =	shalt  }
0x69: {  	_ =	shalt  }
0x6a: {  	_ =	shalt  }
0x6b: {  	_ =	shalt  }
0x6c: {  	_ =	shalt  }
0x6d: {  	_ =	shalt  }
0x6e: {  	_ =	shalt  }
0x6f: {  	_ =	shalt  }
0x70: {  	_ =	shalt  }
0x71: {  	_ =	shalt  }
0x72: {  	_ =	shalt  }
0x73: {  	_ =	shalt  }
0x74: {  	_ =	shalt  }
0x75: {  	_ =	shalt  }
0x76: {  	_ =	shalt  }
0x77: {  	_ =	shalt  }
0x78: {  	_ =	shalt  }
0x79: {  	_ =	shalt  }
0x7a: {  	_ =	shalt  }
0x7b: {  	_ =	shalt  }
0x7c: {  	_ =	shalt  }
0x7d: {  	_ =	shalt  }
0x7e: {  	_ =	shalt  }
0x7f: {  	_ =	shalt  }
0x80: {  	_ =	shalt  }
0x81: {  	_ =	shalt  }
0x82: {  	_ =	shalt  }
0x83: {  	_ =	shalt  }
0x84: {  	_ =	shalt  }
0x85: {  	_ =	shalt  }
0x86: {  	_ =	shalt  }
0x87: {  	_ =	shalt  }
.Lfunc_end0:
.L_simem_size_0:
called_computation_lowered:
.L_overlay_start_0:
0x88: {  	s2 =	sld [smem:$0x3FD9]  }
0x89: {  	s3 =	sld [smem:$0x3FFE];
	_ =	sdelay $0x1  }
0x8a: {  	s1 =	srdreg.scid  }
0x8b: {  	s0 =	sand.u32 $0x1, s1  }
0x8c: {  	s17 =	sshll.u32 s0, $0xA;
	s2 =	sadd.s32 s3, s2  }
0x8d: {  	s2 =	sadd.s32 s2, s17  }
0x8e: {  	[smem:$0x3FBB] =	sst s2  }
0x8f: {  	_ = 	snop  }
0x90: {  	s2 =	sld [smem:$0x3FC3];
	(tm) =	ssettm $0x1  }
0x91: {  	s18 =	sld [smem:$0x3FFB];
	_ =	sdelay $0x3  }
0x92: {  	_ =	strace s18  }
0x93: {  	s3 =	sld [smem:$0x3FFC];
	_ =	sdelay $0x3  }
0x94: {  	_ =	strace s3  }
0x95: {  	s3 =	sld [smem:$0x3FFD];
	_ =	sdelay $0x3  }
0x96: {  	_ =	strace s3  }
0x97: {  	_ =	strace $0x8FFFFFFF  }
0x98: {  	s19 =	sld [smem:$0x3FDB];
	_ =	sdelay $0x1  }
0x99: {  	s4 =	simm.s32 $_scs_section_size  }
0x9a: {  	s5 =	simm.s32 $_size__tile_overlayer_lowered;
	s6 =	simm.s32 $_tile_overlayer_lowered  }
0x9b: {  	s22 =	simm.s32 $0x1BFF;
	s21 =	sshll.u32 s6, $0x1;
	s3 =	sadd.s32 s4, s19  }
0x9c: {  	s7 =	simm.s32 $0x0;
	s20 =	sshll.u32 s5, $0x1;
	s5 =	sadd.s32 s21, s3  }
0x9d: {  	[timem:s7], [sflag:s22] =	dma.local [hbm:s5], s20  }
0x9e: {  	_ =	swait.ge [sflag:s22], s20  }
0x9f: {  	s4 =	ssub.s32 $0x0, s20;
	[sflag:s22] =	ssyncset.done $0x0  }
0xa0: {  	[sflag:s22] =	ssyncadd.s32 s4;
	_ =	sdelay $0x1  }
0xa1: {  	s23 =	simm.s32 $0x1B8B  }
0xa2: {  	_ =	swait.ge [sflag:s23], $0x1  }
0xa3: {  	[sflag:s23] =	ssyncset.done $0x0  }
0xa4: {  	s25 =	simm.s32 $0x1B8E;
	s24 =	sld [smem:$0x3FFE];
	[sflag:s23] =	ssyncadd.s32 $0xFFFFFFFF  }
0xa5: {  	s26 =	simm.s32 $execute0_lowered;
	[smem:$0x3FD2] =	sst s25  }
0xa6: {  	s5 =	sshll.u32 s26, $0x1;
	_ =	strace $0x80000046;
	[dreg:$0x1] =	wrdreg $0xFFFFFFFF  }
0xa7: {  	s28 =	simm.s32 $_size_execute0_lowered;
	s3 =	sadd.s32 s3, s5;
	[dreg:$0x0] =	wrdreg $0x0  }
0xa8: {  	s5 =	sshll.u32 s28, $0x1;
	[dreg:$0x2] =	wrdreg s3  }
0xa9: {  	[dreg:$0x3] =	wrdreg s5  }
0xaa: {  	[dreg:$0x4] =	wrdreg $0xC0  }
0xab: {  	_ =	task [dreg:s7], $0x5FFFF  }
0xac: {  	[dreg:$0x1] =	wrdreg $0xFFFFFFFF  }
0xad: {  	[dreg:$0x0] =	wrdreg $0x60  }
0xae: {  	[dreg:$0x2] =	wrdreg s24  }
0xaf: {  	[dreg:$0x3] =	wrdreg s2  }
0xb0: {  	[dreg:$0x4] =	wrdreg $0xA2000  }
0xb1: {  	[dreg:$0x5] =	wrdreg $0x9  }
0xb2: {  	_ =	task.clear_ibuf [dreg:s7], $0x6FFFF;
	_ =	strace $0x90000046  }
0xb3: {  	s29 =	simm.s32 $0x9;
	_ =	strace $0x80000048  }
0xb4: {  	_ =	swait.ge [sflag:s29], $0x1  }
0xb5: {  	[sflag:s29] =	ssyncadd.s32 $0xFFFFFFFF  }
0xb6: {  	_ =	strace $0x90000048  }
0xb7: {  	_ =	sfence  }
0xb8: {  	s30 =	sld [smem:$0x0];
	_ =	sdelay $0x2  }
0xb9: {  	s31 =	sshll.u32 s1, $0xD;
	s1 =	sshrl.u32 s1, $0x2  }
0xba: {  	s3 =	sand.u32 $0x4000, s31;
	s1 =	sadd.s32 s1, s30  }
0xbb: {  	s0 =	sor.u32 s3, s0;
	s1 =	sshll.u32 s1, $0x11  }
0xbc: {  	s0 =	sor.u32 s1, s0  }
0xbd: {  	s0 =	sadd.s32 $0x8F2B, s0  }
0xbe: {  	[sflag:s0] =	ssyncadd.remote.s32 $0x1  }
0xbf: {  	_ =	sfence.sel $0xFFFF  }
0xc0: {  	[dreg:$0x0] =	wrdreg $0xFFFFFFFF;
	(pc) =	sbr.abs _section_cstart, $3  }
0xc1: {  	[dreg:$0x1] =	wrdreg $0xFFFFFFFF  }
0xc2: {  	_ =	task.clear_ibuf [dreg:s7], $0x2FFFF;
	_ =	strace $0x9FFFFFFF  }
0xc3: {  	(tm) =	ssettm $0x7FFFFFFF  }
tec
execute0_lowered:
.L_overlay_start_1:
0x0: {  	(tag) =	ssettag $0x1  }
0x1: {  	s0 =	rddreg [dreg:$0x0]  }
0x2: {  	s1 =	srdreg.scid;
	s15 =	stileid.u32  }
0x3: {  	s2 =	rddreg [dreg:$0x1];
	s6 =	smul.u32 $0x140, s15  }
0x4: {  	s3 =	rddreg [dreg:$0x2];
	s4 =	simm.s32 $0x0;
	s9 =	smul.u32 $0x14000, s15  }
0x5: {  	s29 =	simm.s32 $0x4200;
	s30 =	simm.s32 $0x3;
	s12 =	smul.u32 $0x50000, s15  }
0x6: {  	s31 =	simm.s32 $0x8200;
	s1 =	sand.u32 $0x1, s1;
	s22 =	smul.u32 $0x1400, s15  }
0x7: {  	[smem:$0x7FF] =	sst s4;
	s11 =	sadd.s32 $0x13000, s0;
	s5 =	smul.u32 $0x1400, s1  }
0x8: {  	s24 =	sadd.s32 $0x12C00, s0;
	s7 =	smul.u32 $0x14000, s1;
	_ =	strace $0x80000047  }
0x9: {  	s8 =	smul.u32 $0x140000, s1;
	[dreg:$0x4] =	wrdreg s11;
	s26 =	ssub.s32 $0x2, s1  }
0xa: {  	[dreg:$0x5] =	wrdreg s24;
	s25 =	sshll.u32 s1, $0x4;
	s13 =	sshrl.u32 s26, $0x1  }
0xb: {  	s12 =	sshrl.u32 s12, $0x2;
	s5 =	sadd.s32 s6, s5;
	s6 =	sadd.s32 $0x4E00, s0  }
0xc: {  	s7 =	sadd.s32 s7, s0;
	s8 =	sadd.s32 s9, s8;
	s9 =	sor.u32 s15, s25  }
0xd: {  	s28 =	ssub.s32 s26, s13;
	s5 =	sshrl.u32 s5, $0x3;
	s8 =	sshrl.u32 s8, $0x3  }
0xe: {  	s14 =	smul.u32 $0x2780, s9;
	s9 =	sadd.s32 s12, s3;
	s10 =	sadd.s32 s5, s0  }
0xf: {  	s5 =	sadd.s32 $0xEC00, s0;
	s0 =	sadd.s32 s8, s0;
	s8 =	smax.u32 s28, $0x1  }
0x10: {  	s1 =	smul.u32 $0x27800, s1;
	s16 =	sadd.s32 $0x2000, s9;
	[dreg:$0x8] =	wrdreg s8  }
0x11: {  	s25 =	sadd.s32 s22, s7;
	s17 =	sadd.s32 $0x4000, s9;
	[dreg:$0x9] =	wrdreg s16  }
0x12: {  	s7 =	simm.s32 $0x4180;
	s18 =	sadd.s32 $0x6000, s9;
	[dreg:$0xa] =	wrdreg s17  }
0x13: {  	s12 =	simm.s32 $0x2100;
	s19 =	sadd.s32 $0x8000, s9;
	[dreg:$0xb] =	wrdreg s18  }
0x14: {  	s20 =	sadd.s32 $0xA000, s9;
	s23 =	sadd.s32 $0xC000, s9;
	[dreg:$0xc] =	wrdreg s19  }
0x15: {  	s24 =	sadd.s32 $0xE000, s9;
	s22 =	sadd.s32 $0x3B800, s25;
	[dreg:$0xd] =	wrdreg s20  }
0x16: {  	s26 =	sadd.s32 $0x10000, s9;
	s28 =	sadd.s32 $0x12000, s9;
	[dreg:$0xe] =	wrdreg s23  }
0x17: {  	s13 =	sshrl.u32 s14, $0x3;
	s0 =	sadd.s32 $0x63800, s0;
	[dreg:$0xf] =	wrdreg s24  }
0x18: {  	s14 =	smul.u32 $0x2780, s15;
	s23 =	sadd.s32 $0x13800, s25;
	[dreg:$0x10] =	wrdreg s26  }
0x19: {  	s24 =	sadd.s32 $0x4800, s10;
	s25 =	sadd.s32 $0x4200, s10;
	[dreg:$0x11] =	wrdreg s28  }
0x1a: {  	s8 =	simm.s32 $0x2;
	s10 =	simm.s32 $0x40;
	s11 =	sadd.s32 s6, s13  }
0x1b: {  	[dreg:$0x7] =	wrdreg s0;
	s13 =	simm.s32 $0x1;
	s0 =	sadd.s32 s14, s1  }
0x1c: {  	[dreg:$0x6] =	wrdreg s11;
	s11 =	simm.s32 $0x100;
	s21 =	sadd.s32 $0x80, s0  }
0x1d: {  	s14 =	simm.s32 $0x0;
	s20 =	sadd.s32 $0x100, s0;
	s1 =	sshrl.u32 s21, $0x3  }
0x1e: {  	s0 =	simm.s32 $0x80;
	s21 =	sadd.s32 s1, s6;
	s1 =	simm.s32 $0x4100  }
.LBB2_1:
0x1f: {  	s15 =	rddreg [dreg:$0x4]  }
0x20: {  	[tilespmem:s29], [sflag:$0x3] =	stream.linear.gather [hbm4b:s15+s4], $0x4000, $0x38;
	[tilespmem:$0x1E200] =	vst v63  }
0x21: {  	_ =	swait.ge [sflag:s30], $0x4000  }
0x22: {  	[sflag:s30] =	ssyncset.done $0x0  }
0x23: {  	s28 =	rddreg [dreg:$0x5];
	[sflag:s30] =	ssyncadd.s32 $0xFFFFC000  }
0x24: {  	[tilespmem:s31], [sflag:$0x3] =	stream.linear.gather [hbm4b:s28+s4], $0x2000, $0x38;
	[tilespmem:$0x1E200] =	vst v63  }
0x25: {  	_ =	swait.ge [sflag:s30], $0x2000  }
0x26: {  	[sflag:s30] =	ssyncset.done $0x0  }
0x27: {  	[sflag:s30] =	ssyncadd.s32 $0xFFFFE000  }
0x28: {  	[spmem:s9] =	stream.linear.scatter [tilespmem:s31], [sflag:$0x3], $0x2000, $0x38;
	[tilespmem:$0x1E200] =	vst v63  }
0x29: {  	_ =	swait.ge [sflag:s30], $0x2000  }
0x2a: {  	[sflag:s30] =	ssyncset.done $0x0  }
0x2b: {  	s16 =	rddreg [dreg:$0x9];
	[sflag:s30] =	ssyncadd.s32 $0xFFFFE000  }
0x2c: {  	[spmem:s16] =	stream.linear.scatter [tilespmem:s31], [sflag:$0x3], $0x2000, $0x38;
	[tilespmem:$0x1E200] =	vst v63  }
0x2d: {  	_ =	swait.ge [sflag:s30], $0x2000  }
0x2e: {  	[sflag:s30] =	ssyncset.done $0x0  }
0x2f: {  	s17 =	rddreg [dreg:$0xa];
	[sflag:s30] =	ssyncadd.s32 $0xFFFFE000  }
0x30: {  	[spmem:s17] =	stream.linear.scatter [tilespmem:s31], [sflag:$0x3], $0x2000, $0x38;
	[tilespmem:$0x1E200] =	vst v63  }
0x31: {  	_ =	swait.ge [sflag:s30], $0x2000  }
0x32: {  	[sflag:s30] =	ssyncset.done $0x0  }
0x33: {  	s18 =	rddreg [dreg:$0xb];
	[sflag:s30] =	ssyncadd.s32 $0xFFFFE000  }
0x34: {  	[spmem:s18] =	stream.linear.scatter [tilespmem:s31], [sflag:$0x3], $0x2000, $0x38;
	[tilespmem:$0x1E200] =	vst v63  }
0x35: {  	_ =	swait.ge [sflag:s30], $0x2000  }
0x36: {  	[sflag:s30] =	ssyncset.done $0x0  }
0x37: {  	s19 =	rddreg [dreg:$0xc];
	[sflag:s30] =	ssyncadd.s32 $0xFFFFE000  }
0x38: {  	[spmem:s19] =	stream.linear.scatter [tilespmem:s31], [sflag:$0x3], $0x2000, $0x38;
	[tilespmem:$0x1E200] =	vst v63  }
0x39: {  	_ =	swait.ge [sflag:s30], $0x2000  }
0x3a: {  	[sflag:s30] =	ssyncset.done $0x0  }
0x3b: {  	s26 =	rddreg [dreg:$0xd];
	[sflag:s30] =	ssyncadd.s32 $0xFFFFE000  }
0x3c: {  	[spmem:s26] =	stream.linear.scatter [tilespmem:s31], [sflag:$0x3], $0x2000, $0x38;
	[tilespmem:$0x1E200] =	vst v63  }
0x3d: {  	_ =	swait.ge [sflag:s30], $0x2000  }
0x3e: {  	[sflag:s30] =	ssyncset.done $0x0  }
0x3f: {  	s28 =	rddreg [dreg:$0xe];
	[sflag:s30] =	ssyncadd.s32 $0xFFFFE000  }
0x40: {  	[spmem:s28] =	stream.linear.scatter [tilespmem:s31], [sflag:$0x3], $0x2000, $0x38;
	[tilespmem:$0x1E200] =	vst v63  }
0x41: {  	_ =	swait.ge [sflag:s30], $0x2000  }
0x42: {  	[sflag:s30] =	ssyncset.done $0x0  }
0x43: {  	s16 =	rddreg [dreg:$0xf];
	[sflag:s30] =	ssyncadd.s32 $0xFFFFE000  }
0x44: {  	[spmem:s16] =	stream.linear.scatter [tilespmem:s31], [sflag:$0x3], $0x2000, $0x38;
	[tilespmem:$0x1E200] =	vst v63  }
0x45: {  	_ =	swait.ge [sflag:s30], $0x2000  }
0x46: {  	[sflag:s30] =	ssyncset.done $0x0  }
0x47: {  	s17 =	rddreg [dreg:$0x10];
	[sflag:s30] =	ssyncadd.s32 $0xFFFFE000  }
0x48: {  	[spmem:s17] =	stream.linear.scatter [tilespmem:s31], [sflag:$0x3], $0x2000, $0x38;
	[tilespmem:$0x1E200] =	vst v63  }
0x49: {  	_ =	swait.ge [sflag:s30], $0x2000  }
0x4a: {  	[sflag:s30] =	ssyncset.done $0x0  }
0x4b: {  	s18 =	rddreg [dreg:$0x11];
	[sflag:s30] =	ssyncadd.s32 $0xFFFFE000  }
0x4c: {  	[spmem:s18] =	stream.linear.scatter [tilespmem:s31], [sflag:$0x3], $0x2000, $0x38;
	[tilespmem:$0x1E200] =	vst v63  }
0x4d: {  	_ =	swait.ge [sflag:s30], $0x2000  }
0x4e: {  	[sflag:s30] =	ssyncset.done $0x0  }
0x4f: {  	[sflag:s30] =	ssyncadd.s32 $0xFFFFE000  }
0x50: {  	[bflag:$0x0] =	sbarrier.arrive $0xFFFF  }
0x51: {  	s19 =	rddreg [dreg:$0x6]  }
0x52: {  	[tilespmem:s1], [sflag:$0x3] =	stream.linear.gather [hbm4b:s19+s4], $0x80, $0x38;
	[tilespmem:$0x1E200] =	vst v63  }
0x53: {  	_ =	swait.ge [sflag:s30], $0x80  }
0x54: {  	[sflag:s30] =	ssyncset.done $0x0  }
0x55: {  	[sflag:s30] =	ssyncadd.s32 $0xFFFFFF80  }
0x56: {  	[spmem:s3] =	stream.indirect.scatter.add.f32 [tilespmem:s29], [sflag:$0x2], $0x80, s1, s0, $0xb8;
	[tilespmem:$0x1E200] =	vst v63  }
0x57: {  	s26 =	sadd.s32 $0x0, s21  }
0x58: {  	[tilespmem:s7], [sflag:$0x3] =	stream.linear.gather [hbm4b:s26+s4], $0x80, $0x38;
	[tilespmem:$0x1E200] =	vst v63  }
0x59: {  	_ =	swait.ge [sflag:s30], $0x80  }
0x5a: {  	[sflag:s30] =	ssyncset.done $0x0  }
0x5b: {  	[sflag:s30] =	ssyncadd.s32 $0xFFFFFF80  }
0x5c: {  	[spmem:s3] =	stream.indirect.scatter.add.f32 [tilespmem:s29], [sflag:$0x2], $0x80, s7, s0, $0xb8;
	[tilespmem:$0x1E200] =	vst v63  }
0x5d: {  	_ =	swait.ge [sflag:s8], $0x4000  }
0x5e: {  	s28 =	sshrl.u32 s20, $0x3;
	[sflag:s8] =	ssyncset.done $0x0  }
0x5f: {  	s15 =	sadd.s32 s6, s28;
	[sflag:s8] =	ssyncadd.s32 $0xFFFFC000  }
0x60: {  	[tilespmem:s1], [sflag:$0x3] =	stream.linear.gather [hbm4b:s15+s4], $0x80, $0x38;
	[tilespmem:$0x1E200] =	vst v63  }
0x61: {  	_ =	swait.ge [sflag:s30], $0x80  }
0x62: {  	[sflag:s30] =	ssyncset.done $0x0  }
0x63: {  	[sflag:s30] =	ssyncadd.s32 $0xFFFFFF80  }
0x64: {  	[spmem:s3] =	stream.indirect.scatter.add.f32 [tilespmem:s29], [sflag:$0x2], $0x80, s1, s0, $0xb8;
	[tilespmem:$0x1E200] =	vst v63  }
0x65: {  	s16 =	simm.s32 $0x20;
	_ =	swait.ge [sflag:s8], $0x4000  }
0x66: {  	s17 =	simm.s32 $0x40;
	s15 =	sadd.s32 $0x100, s20;
	[sflag:s8] =	ssyncset.done $0x0  }
.LBB2_2:
0x67: {  	s18 =	sadd.s32 s16, s21  }
0x68: {  	[sflag:s8] =	ssyncadd.s32 $0xFFFFC000;
	s16 =	smov.u32 s17;
	s19 =	sadd.s32 $0x20, s17  }
0x69: {  	[tilespmem:s7], [sflag:$0x3] =	stream.linear.gather [hbm4b:s18+s4], $0x80, $0x38;
	[tilespmem:$0x1E200] =	vst v63  }
0x6a: {  	p0 =	sne.s32 s17, $0x4C0;
	_ =	swait.ge [sflag:s30], $0x80  }
0x6b: {  	[sflag:s30] =	ssyncset.done $0x0  }
0x6c: {  	[sflag:s30] =	ssyncadd.s32 $0xFFFFFF80  }
0x6d: {  	[spmem:s3] =	stream.indirect.scatter.add.f32 [tilespmem:s29], [sflag:$0x2], $0x80, s7, s0, $0xb8;
	[tilespmem:$0x1E200] =	vst v63  }
0x6e: {  	_ =	swait.ge [sflag:s8], $0x4000  }
0x6f: {  	s17 =	sshrl.u32 s15, $0x3;
	[sflag:s8] =	ssyncset.done $0x0  }
0x70: {  	s17 =	sadd.s32 s6, s17;
	[sflag:s8] =	ssyncadd.s32 $0xFFFFC000  }
0x71: {  	[tilespmem:s1], [sflag:$0x3] =	stream.linear.gather [hbm4b:s17+s4], $0x80, $0x38;
	[tilespmem:$0x1E200] =	vst v63  }
0x72: {  	_ =	swait.ge [sflag:s30], $0x80  }
.Ltmp0:
0x73: {  	[sflag:s30] =	ssyncset.done $0x0;
	(pc) =	sbr.rel @p0 .LBB2_2-.Ltmp0, $4  }
0x74: {  	[sflag:s30] =	ssyncadd.s32 $0xFFFFFF80  }
0x75: {  	[spmem:s3] =	stream.indirect.scatter.add.f32 [tilespmem:s29], [sflag:$0x2], $0x80, s1, s0, $0xb8;
	[tilespmem:$0x1E200] =	vst v63  }
0x76: {  	_ =	swait.ge [sflag:s8], $0x4000  }
0x77: {  	s15 =	sadd.s32 $0x100, s15;
	s17 =	smov.u32 s19;
	[sflag:s8] =	ssyncset.done $0x0  }
0x78: {  	s16 =	sadd.s32 s16, s21;
	[sflag:s8] =	ssyncadd.s32 $0xFFFFC000  }
0x79: {  	[tilespmem:s7], [sflag:$0x3] =	stream.linear.gather [hbm4b:s16+s4], $0x80, $0x38;
	[tilespmem:$0x1E200] =	vst v63  }
0x7a: {  	_ =	swait.ge [sflag:s30], $0x80  }
0x7b: {  	[sflag:s30] =	ssyncset.done $0x0  }
0x7c: {  	[sflag:s30] =	ssyncadd.s32 $0xFFFFFF80  }
0x7d: {  	[spmem:s3] =	stream.indirect.scatter.add.f32 [tilespmem:s29], [sflag:$0x2], $0x80, s7, s0, $0xb8;
	[tilespmem:$0x1E200] =	vst v63  }
0x7e: {  	_ =	swait.ge [sflag:s8], $0x4000  }
0x7f: {  	s15 =	sshrl.u32 s15, $0x3;
	[sflag:s8] =	ssyncset.done $0x0  }
0x80: {  	s15 =	sadd.s32 s6, s15;
	[sflag:s8] =	ssyncadd.s32 $0xFFFFC000  }
0x81: {  	[tilespmem:s1], [sflag:$0x3] =	stream.linear.gather [hbm4b:s15+s4], $0x80, $0x38;
	[tilespmem:$0x1E200] =	vst v63  }
0x82: {  	_ =	swait.ge [sflag:s30], $0x80  }
0x83: {  	[sflag:s30] =	ssyncset.done $0x0  }
0x84: {  	[sflag:s30] =	ssyncadd.s32 $0xFFFFFF80  }
0x85: {  	[spmem:s3] =	stream.indirect.scatter.add.f32 [tilespmem:s29], [sflag:$0x2], $0x80, s1, s0, $0xb8;
	[tilespmem:$0x1E200] =	vst v63  }
0x86: {  	_ =	swait.ge [sflag:s8], $0x4000  }
0x87: {  	[sflag:s8] =	ssyncset.done $0x0  }
0x88: {  	[sflag:s8] =	ssyncadd.s32 $0xFFFFC000  }
0x89: {  	_ =	swait.ge [sflag:s8], $0x4000  }
0x8a: {  	[sflag:s8] =	ssyncset.done $0x0  }
0x8b: {  	s26 =	sadd.s32 $0x0, s25;
	[sflag:s8] =	ssyncadd.s32 $0xFFFFC000  }
0x8c: {  	[tilespmem:s4], [sflag:$0x3] =	stream.linear.gather [hbm4b:s26+s4], $0x40, $0x38;
	[tilespmem:$0x1E200] =	vst v63  }
0x8d: {  	_ =	swait.ge [sflag:s30], $0x40  }
0x8e: {  	[sflag:s30] =	ssyncset.done $0x0  }
0x8f: {  	[sflag:s30] =	ssyncadd.s32 $0xFFFFFFC0  }
0x90: {  	[tilespmem:s11], [sflag:$0x1] =	stream.indirect.gather [hbm4b:s2+s10], $0x80, s4, s10, $0xb8;
	[tilespmem:$0x1E200] =	vst v63  }
0x91: {  	s28 =	sadd.s32 $0x0, s24  }
0x92: {  	[tilespmem:s0], [sflag:$0x3] =	stream.linear.gather [hbm4b:s28+s4], $0x40, $0x38;
	[tilespmem:$0x1E200] =	vst v63  }
0x93: {  	_ =	swait.ge [sflag:s30], $0x40  }
0x94: {  	[sflag:s30] =	ssyncset.done $0x0  }
0x95: {  	[sflag:s30] =	ssyncadd.s32 $0xFFFFFFC0  }
0x96: {  	[tilespmem:s12], [sflag:$0x1] =	stream.indirect.gather [hbm4b:s5+s10], $0x80, s0, s10, $0xb8;
	[tilespmem:$0x1E200] =	vst v63  }
0x97: {  	_ =	swait.ge [sflag:s13], $0x2000  }
0x98: {  	[sflag:s13] =	ssyncset.done $0x0  }
0x99: {  	[sflag:s13] =	ssyncadd.s32 $0xFFFFE000  }
0x9a: {  	[hbm4b:s22+s4] =	stream.linear.scatter [tilespmem:s11], [sflag:$0x3], $0x2000, $0x38;
	[tilespmem:$0x1E200] =	vst v63  }
0x9b: {  	_ =	swait.ge [sflag:s30], $0x2000  }
0x9c: {  	[sflag:s30] =	ssyncset.done $0x0  }
0x9d: {  	[sflag:s30] =	ssyncadd.s32 $0xFFFFE000  }
0x9e: {  	_ =	swait.ge [sflag:s13], $0x2000  }
0x9f: {  	[sflag:s13] =	ssyncset.done $0x0  }
0xa0: {  	[sflag:s13] =	ssyncadd.s32 $0xFFFFE000  }
0xa1: {  	[hbm4b:s23+s4] =	stream.linear.scatter [tilespmem:s12], [sflag:$0x3], $0x2000, $0x38;
	[tilespmem:$0x1E200] =	vst v63  }
0xa2: {  	s17 =	simm.s32 $0x8;
	s18 =	simm.s32 $0x10;
	_ =	swait.ge [sflag:s30], $0x2000  }
0xa3: {  	s16 =	sadd.s32 $0x400, s22;
	s15 =	sadd.s32 $0x400, s23;
	[sflag:s30] =	ssyncset.done $0x0  }
.LBB2_4:
0xa4: {  	s19 =	sadd.s32 s17, s25  }
0xa5: {  	[sflag:s30] =	ssyncadd.s32 $0xFFFFE000;
	s26 =	smov.u32 s18;
	s28 =	sadd.s32 $0x8, s18  }
0xa6: {  	[tilespmem:s4], [sflag:$0x3] =	stream.linear.gather [hbm4b:s19+s4], $0x40, $0x38;
	[tilespmem:$0x1E200] =	vst v63  }
0xa7: {  	p0 =	sne.s32 s18, $0x20;
	_ =	swait.ge [sflag:s30], $0x40  }
0xa8: {  	[sflag:s30] =	ssyncset.done $0x0  }
0xa9: {  	[sflag:s30] =	ssyncadd.s32 $0xFFFFFFC0  }
0xaa: {  	[tilespmem:s11], [sflag:$0x1] =	stream.indirect.gather [hbm4b:s2+s10], $0x80, s4, s10, $0xb8;
	[tilespmem:$0x1E200] =	vst v63  }
0xab: {  	s18 =	sadd.s32 s17, s24;
	s17 =	smov.u32 s26  }
0xac: {  	[tilespmem:s0], [sflag:$0x3] =	stream.linear.gather [hbm4b:s18+s4], $0x40, $0x38;
	[tilespmem:$0x1E200] =	vst v63  }
0xad: {  	_ =	swait.ge [sflag:s30], $0x40  }
0xae: {  	[sflag:s30] =	ssyncset.done $0x0  }
0xaf: {  	[sflag:s30] =	ssyncadd.s32 $0xFFFFFFC0  }
0xb0: {  	[tilespmem:s12], [sflag:$0x1] =	stream.indirect.gather [hbm4b:s5+s10], $0x80, s0, s10, $0xb8;
	[tilespmem:$0x1E200] =	vst v63  }
0xb1: {  	_ =	swait.ge [sflag:s13], $0x2000  }
0xb2: {  	[sflag:s13] =	ssyncset.done $0x0  }
0xb3: {  	[sflag:s13] =	ssyncadd.s32 $0xFFFFE000  }
0xb4: {  	[hbm4b:s16+s4] =	stream.linear.scatter [tilespmem:s11], [sflag:$0x3], $0x2000, $0x38;
	[tilespmem:$0x1E200] =	vst v63  }
0xb5: {  	_ =	swait.ge [sflag:s30], $0x2000  }
0xb6: {  	[sflag:s30] =	ssyncset.done $0x0  }
0xb7: {  	[sflag:s30] =	ssyncadd.s32 $0xFFFFE000  }
0xb8: {  	_ =	swait.ge [sflag:s13], $0x2000  }
.Ltmp1:
0xb9: {  	[sflag:s13] =	ssyncset.done $0x0;
	(pc) =	sbr.rel @p0 .LBB2_4-.Ltmp1, $4  }
0xba: {  	[sflag:s13] =	ssyncadd.s32 $0xFFFFE000  }
0xbb: {  	[hbm4b:s15+s4] =	stream.linear.scatter [tilespmem:s12], [sflag:$0x3], $0x2000, $0x38;
	[tilespmem:$0x1E200] =	vst v63  }
0xbc: {  	s18 =	smov.u32 s28;
	_ =	swait.ge [sflag:s30], $0x2000  }
0xbd: {  	s16 =	sadd.s32 $0x400, s16;
	s15 =	sadd.s32 $0x400, s15;
	[sflag:s30] =	ssyncset.done $0x0  }
0xbe: {  	s18 =	sadd.s32 s17, s25;
	[sflag:s30] =	ssyncadd.s32 $0xFFFFE000  }
0xbf: {  	[tilespmem:s4], [sflag:$0x3] =	stream.linear.gather [hbm4b:s18+s4], $0x40, $0x38;
	[tilespmem:$0x1E200] =	vst v63  }
0xc0: {  	_ =	swait.ge [sflag:s30], $0x40  }
0xc1: {  	[sflag:s30] =	ssyncset.done $0x0  }
0xc2: {  	[sflag:s30] =	ssyncadd.s32 $0xFFFFFFC0  }
0xc3: {  	[tilespmem:s11], [sflag:$0x1] =	stream.indirect.gather [hbm4b:s2+s10], $0x80, s4, s10, $0xb8;
	[tilespmem:$0x1E200] =	vst v63  }
0xc4: {  	s28 =	sadd.s32 s17, s24  }
0xc5: {  	[tilespmem:s0], [sflag:$0x3] =	stream.linear.gather [hbm4b:s28+s4], $0x40, $0x38;
	[tilespmem:$0x1E200] =	vst v63  }
0xc6: {  	_ =	swait.ge [sflag:s30], $0x40  }
0xc7: {  	[sflag:s30] =	ssyncset.done $0x0  }
0xc8: {  	[sflag:s30] =	ssyncadd.s32 $0xFFFFFFC0  }
0xc9: {  	[tilespmem:s12], [sflag:$0x1] =	stream.indirect.gather [hbm4b:s5+s10], $0x80, s0, s10, $0xb8;
	[tilespmem:$0x1E200] =	vst v63  }
0xca: {  	_ =	swait.ge [sflag:s13], $0x2000  }
0xcb: {  	[sflag:s13] =	ssyncset.done $0x0  }
0xcc: {  	[sflag:s13] =	ssyncadd.s32 $0xFFFFE000  }
0xcd: {  	[hbm4b:s16+s4] =	stream.linear.scatter [tilespmem:s11], [sflag:$0x3], $0x2000, $0x38;
	[tilespmem:$0x1E200] =	vst v63  }
0xce: {  	_ =	swait.ge [sflag:s30], $0x2000  }
0xcf: {  	[sflag:s30] =	ssyncset.done $0x0  }
0xd0: {  	[sflag:s30] =	ssyncadd.s32 $0xFFFFE000  }
0xd1: {  	_ =	swait.ge [sflag:s13], $0x2000  }
0xd2: {  	[sflag:s13] =	ssyncset.done $0x0  }
0xd3: {  	[sflag:s13] =	ssyncadd.s32 $0xFFFFE000  }
0xd4: {  	[hbm4b:s15+s4] =	stream.linear.scatter [tilespmem:s12], [sflag:$0x3], $0x2000, $0x38;
	[tilespmem:$0x1E200] =	vst v63  }
0xd5: {  	_ =	swait.ge [sflag:s30], $0x2000  }
0xd6: {  	[sflag:s30] =	ssyncset.done $0x0  }
0xd7: {  	s18 =	stileid.u32;
	[sflag:s30] =	ssyncadd.s32 $0xFFFFE000  }
0xd8: {  	s15 =	sshll.u32 s18, $0x6;
	[bflag:$0x0] =	sbarrier.arrive $0xFFFF  }
0xd9: {  	s19 =	sshrl.u32 s9, $0x3;
	s15 =	sor.u32 $0x1C03, s15;
	s26 =	rddreg [dreg:$0x7]  }
0xda: {  	[hbm:s26], [sflag:s15] =	dma.local [spmem:s19], $0x2800  }
0xdb: {  	_ =	swait.ge [sflag:s30], $0x2800  }
0xdc: {  	s14 =	sadd.s32 $0x1, s14;
	s28 =	rddreg [dreg:$0x8]  }
0xdd: {  	p0 =	sne.s32 s14, s28  }
.Ltmp2:
0xde: {  	_ = 	snop;
	(pc) =	sbr.rel @p0 .LBB2_1-.Ltmp2, $3  }
0xdf: {  	_ =	sdelay $0x1  }
0xe0: {  	[sflag:s30] =	ssyncset.done $0x0  }
0xe1: {  	[sflag:s30] =	ssyncadd.s32 $0xFFFFD800  }
0xe2: {  	_ =	sfence.sel $0x180000  }
0xe3: {  	[bflag:$0x0] =	sbarrier.arrive $0xFFFF  }
0xe4: {  	_ =	strace $0x90000047  }
0xe5: {  	s0 =	stileid.u32;
	[bflag:$0x2] =	sbarrier.arrive $0xFFFF  }
0xe6: {  	p0 =	sne.s32 s0, $0x0;
	s0 =	rddreg [dreg:$0x3]  }
0xe7: {  	s0 =	sadd.s32 @!p0 $0x100000, s0  }
0xe8: {  	[sflag:s0] =	ssyncadd.tile.s32 @!p0 $0x1;
	_ =	shalt  }
.Lfunc_end2:
_tile_overlayer_lowered:
.L_overlay_start_2:
0xe9: {  	(tag) =	ssettag $0x2  }
0xea: {  	s0 =	rddreg [dreg:$0x0];
	s2 =	stileid.u32  }
0xeb: {  	s1 =	rddreg [dreg:$0x1];
	p0 =	sne.s32 s2, $0x0  }
0xec: {  	s3 =	rddreg [dreg:$0x2];
	[bflag:$0x3] =	sbarrier.arrive $0xFFFF;
	s2 =	simm.s32 @!p0 $0x1C03  }
0xed: {  	[timem:s3], [sflag:s2] =	dma.local @!p0 [hbm:s0], s1  }
0xee: {  	s0 =	simm.s32 @!p0 $0x3  }
0xef: {  	_ =	swait.ge @!p0 [sflag:s0], s1  }
0xf0: {  	s1 =	ssub.s32 @!p0 $0x0, s1;
	[sflag:s0] =	ssyncset.done @!p0 $0x0  }
0xf1: {  	[sflag:s0] =	ssyncadd.s32 @!p0 s1  }
0xf2: {  	[bflag:$0x3] =	sbarrier.arrive $0xFFFF  }
0xf3: {  	_ =	shalt  }

</sc_bundles>
